<compile_context>
chip_gen: v7x
topology: tpu7x:2x2x1
jax: 0.10.2.dev20260603
libtpu: 0.0.44.dev20260713+nightly
codegen_flags: <defaults>
</compile_context>

<pallas_src>
import functools

import jax
import jax.numpy as jnp
from jax import lax
from jax.experimental import pallas as pl
from jax.experimental.pallas import tpu as pltpu
from jax.experimental.pallas import tpu_sc as plsc

N = 100000
E = 6400000
FD = 11
ED = 4
G = 1000
C = 16
NC = 2
NS = 16
NW = NC * NS

EB = 128
NB = 8
CH = EB * NB
E_NCHUNK = E // CH
G_NB = 4
G_CH = EB * G_NB
G_NCHUNK = E // G_CH
NPAD = 102400
P_NCHUNK = NPAD // CH
NACC = 100352
GACC = 1024


def _chunk_counts(total):
    q, r = divmod(total, NW)
    def nk(w):
        return q + jnp.where(w < r, 1, 0).astype(jnp.int32)
    return nk

_mesh = plsc.VectorSubcoreMesh(core_axis_name="c", subcore_axis_name="s")


def _wid():
    return lax.axis_index("s") * NC + lax.axis_index("c")


def _gather_body(table, idxd, idxs, xd_out, xs_out,
                 table_sh, idxd_v, idxs_v, rowsd_v, rowss_v, semi, semg, semo):
    w = _wid()
    tid = lax.axis_index("s")
    rpt = NACC // NS
    nk = _chunk_counts(G_NCHUNK)(w)

    pltpu.sync_copy(table.at[pl.ds(tid * rpt, rpt)],
                    table_sh.at[pl.ds(tid * rpt, rpt)])
    plsc.subcore_barrier()

    def chunk(k, _):
        g = w + NW * k
        rb = g * G_NB
        eb = g * G_CH
        c1 = pltpu.async_copy(idxd.at[pl.ds(rb, G_NB)], idxd_v, semi)
        c2 = pltpu.async_copy(idxs.at[pl.ds(rb, G_NB)], idxs_v, semi)
        c1.wait()
        c2.wait()

        def fire(j, _):
            pltpu.async_copy(table_sh.at[idxd_v.at[j]],
                             rowsd_v.at[pl.ds(j * EB, EB)], semg)
            pltpu.async_copy(table_sh.at[idxs_v.at[j]],
                             rowss_v.at[pl.ds(j * EB, EB)], semg)
            return _
        lax.fori_loop(0, G_NB, fire, 0)

        def drain(j, _):
            pltpu.make_async_copy(table_sh.at[idxd_v.at[j]],
                                  rowsd_v.at[pl.ds(j * EB, EB)], semg).wait()
            pltpu.make_async_copy(table_sh.at[idxs_v.at[j]],
                                  rowss_v.at[pl.ds(j * EB, EB)], semg).wait()
            return _
        lax.fori_loop(0, G_NB, drain, 0)

        d1 = pltpu.async_copy(rowsd_v, xd_out.at[pl.ds(eb, G_CH)], semo)
        d2 = pltpu.async_copy(rowss_v, xs_out.at[pl.ds(eb, G_CH)], semo)
        d1.wait()
        d2.wait()
        return _

    lax.fori_loop(0, nk, chunk, 0)


@jax.jit
def _sc_gather(table, idxd2, idxs2):
    f = pl.kernel(
        _gather_body,
        out_type=(jax.ShapeDtypeStruct((E, C), jnp.float32),
                  jax.ShapeDtypeStruct((E, C), jnp.float32)),
        mesh=_mesh,
        scratch_types=[
            pltpu.VMEM_SHARED((NACC, C), jnp.float32),
            pltpu.VMEM((G_NB, EB), jnp.int32),
            pltpu.VMEM((G_NB, EB), jnp.int32),
            pltpu.VMEM((G_CH, C), jnp.float32),
            pltpu.VMEM((G_CH, C), jnp.float32),
            pltpu.SemaphoreType.DMA,
            pltpu.SemaphoreType.DMA,
            pltpu.SemaphoreType.DMA,
        ],
        compiler_params=pltpu.CompilerParams(use_tc_tiling_on_sc=False),
    )
    return f(table, idxd2, idxs2)


def _scatter_body(nout, nchunk, msg, idx2, zeros, out,
                  idx_v, msg_v, acc_sh, semi, semg):
    w = _wid()
    cid = lax.axis_index("c")
    tid = lax.axis_index("s")
    rpt = nout // NS
    nk = _chunk_counts(nchunk)(w)

    pltpu.sync_copy(zeros.at[pl.ds(tid * rpt, rpt)],
                    acc_sh.at[pl.ds(tid * rpt, rpt)])
    plsc.subcore_barrier()

    def chunk(k, _):
        g = w + NW * k
        c1 = pltpu.async_copy(idx2.at[pl.ds(g * NB, NB)], idx_v, semi)
        c2 = pltpu.async_copy(msg.at[pl.ds(g * CH, CH)], msg_v, semi)
        c1.wait()
        c2.wait()

        def fire(j, _):
            pltpu.async_copy(msg_v.at[pl.ds(j * EB, EB)],
                             acc_sh.at[idx_v.at[j]], semg, add=True)
            return _
        lax.fori_loop(0, NB, fire, 0)

        def drain(j, _):
            pltpu.make_async_copy(msg_v.at[pl.ds(j * EB, EB)],
                                  acc_sh.at[idx_v.at[j]], semg).wait()
            return _
        lax.fori_loop(0, NB, drain, 0)
        return _

    lax.fori_loop(0, nk, chunk, 0)
    plsc.subcore_barrier()
    pltpu.sync_copy(acc_sh.at[pl.ds(tid * rpt, rpt)],
                    out.at[cid, pl.ds(tid * rpt, rpt)])


def _make_scatter(nout, nchunk):
    body = functools.partial(_scatter_body, nout, nchunk)

    @jax.jit
    def run(msg, idx2, zeros):
        f = pl.kernel(
            body,
            out_type=jax.ShapeDtypeStruct((NC, nout, C), jnp.float32),
            mesh=_mesh,
            scratch_types=[
                pltpu.VMEM((NB, EB), jnp.int32),
                pltpu.VMEM((CH, C), jnp.float32),
                pltpu.VMEM_SHARED((nout, C), jnp.float32),
                pltpu.SemaphoreType.DMA,
                pltpu.SemaphoreType.DMA,
            ],
            compiler_params=pltpu.CompilerParams(use_tc_tiling_on_sc=False),
        )
        return f(msg, idx2, zeros)

    return run


_sc_scatter_edges = _make_scatter(NACC, E_NCHUNK)
_sc_scatter_pool = _make_scatter(GACC, P_NCHUNK)


ROWS = E // 8
MB = 1600
MGRID = ROWS // MB


def _msg_kernel(xd, xs, ea, wdf, wsf, wef, bf, wds, wss, wes, bs, out):
    zf = (jnp.dot(xd[...], wdf[...], preferred_element_type=jnp.float32)
          + jnp.dot(xs[...], wsf[...], preferred_element_type=jnp.float32)
          + jnp.dot(ea[...], wef[...], preferred_element_type=jnp.float32)
          + bf[...])
    zs = (jnp.dot(xd[...], wds[...], preferred_element_type=jnp.float32)
          + jnp.dot(xs[...], wss[...], preferred_element_type=jnp.float32)
          + jnp.dot(ea[...], wes[...], preferred_element_type=jnp.float32)
          + bs[...])
    out[...] = jax.nn.sigmoid(zf) * jax.nn.softplus(zs)


@jax.jit
def _tc_msg(xdp, xsp, eap, wdf, wsf, wef, bf, wds, wss, wes, bs):
    full = lambda s: pl.BlockSpec(s, lambda i: (0, 0))
    return pl.pallas_call(
        _msg_kernel,
        grid=(MGRID,),
        in_specs=[
            pl.BlockSpec((MB, 128), lambda i: (i, 0)),
            pl.BlockSpec((MB, 128), lambda i: (i, 0)),
            pl.BlockSpec((MB, 32), lambda i: (i, 0)),
            full((128, 128)), full((128, 128)), full((32, 128)), full((1, 128)),
            full((128, 128)), full((128, 128)), full((32, 128)), full((1, 128)),
        ],
        out_specs=pl.BlockSpec((MB, 128), lambda i: (i, 0)),
        out_shape=jax.ShapeDtypeStruct((ROWS, 128), jnp.float32),
    )(xdp, xsp, eap, wdf, wsf, wef, bf, wds, wss, wes, bs)


BNR = NPAD // 8
BNB = 1280
BNGRID = BNR // BNB


def _bn_stats_kernel(a0, a1, out):
    i = pl.program_id(0)
    agg = a0[...] + a1[...]
    s = jnp.sum(agg, axis=0, keepdims=True)
    s2 = jnp.sum(agg * agg, axis=0, keepdims=True)
    blk = jnp.concatenate([s, s2], axis=0)

    @pl.when(i == 0)
    def _():
        out[...] = blk

    @pl.when(i > 0)
    def _():
        out[...] = out[...] + blk


def _bn_norm_kernel(a0, a1, x, stats, fold, gamma, beta, out):
    st = jnp.dot(stats[...], fold[...], preferred_element_type=jnp.float32)
    mean = st[0:1, :] * (1.0 / N)
    var = st[1:2, :] * (1.0 / N) - mean * mean
    rstd = lax.rsqrt(var + 1e-5)
    agg = a0[...] + a1[...]
    h = (agg - mean) * rstd * gamma[...] + beta[...] + x[...]
    lanes = lax.broadcasted_iota(jnp.int32, h.shape, 1)
    out[...] = jnp.where(lanes % 16 == 11, 1.0, h)


@jax.jit
def _tc_bn(a0p, a1p, xp, fold, gamma, beta):
    full = lambda s: pl.BlockSpec(s, lambda i: (0, 0))
    stats = pl.pallas_call(
        _bn_stats_kernel,
        grid=(BNGRID,),
        in_specs=[pl.BlockSpec((BNB, 128), lambda i: (i, 0)),
                  pl.BlockSpec((BNB, 128), lambda i: (i, 0))],
        out_specs=pl.BlockSpec((2, 128), lambda i: (0, 0)),
        out_shape=jax.ShapeDtypeStruct((2, 128), jnp.float32),
    )(a0p, a1p)
    return pl.pallas_call(
        _bn_norm_kernel,
        grid=(BNGRID,),
        in_specs=[pl.BlockSpec((BNB, 128), lambda i: (i, 0)),
                  pl.BlockSpec((BNB, 128), lambda i: (i, 0)),
                  pl.BlockSpec((BNB, 128), lambda i: (i, 0)),
                  full((2, 128)), full((128, 128)),
                  full((1, 128)), full((1, 128))],
        out_specs=pl.BlockSpec((BNB, 128), lambda i: (i, 0)),
        out_shape=jax.ShapeDtypeStruct((BNR, 128), jnp.float32),
    )(a0p, a1p, xp, stats, fold, gamma, beta)


def _mlp_kernel(p0, p1, e11, w1, b1, w2, b2, out):
    ps = p0[...] + p1[...]
    cnt = jnp.clip(jnp.dot(ps, e11[...], preferred_element_type=jnp.float32),
                   1.0, None)
    pooled = ps / cnt
    h2 = jax.nn.softplus(
        jnp.dot(pooled, w1[...], preferred_element_type=jnp.float32) + b1[...])
    out[...] = jnp.dot(h2, w2[...], preferred_element_type=jnp.float32) + b2[...]


@jax.jit
def _tc_mlp(p0, p1, e11, w1, b1, w2, b2):
    full = lambda s: pl.BlockSpec(s, lambda: (0, 0))
    return pl.pallas_call(
        _mlp_kernel,
        in_specs=[full((GACC, C)), full((GACC, C)), full((C, C)),
                  full((C, 8)), full((1, 8)), full((8, 8)), full((1, 8))],
        out_specs=full((GACC, 8)),
        out_shape=jax.ShapeDtypeStruct((GACC, 8), jnp.float32),
    )(p0, p1, e11, w1, b1, w2, b2)


def _layer_weights(Wf, bf, Ws, bs):
    def bd(A, reps):
        return jnp.kron(jnp.eye(reps, dtype=jnp.float32), A)

    def padw(Wsub, rows):
        A = jnp.zeros((rows, C), jnp.float32)
        return A.at[:Wsub.shape[1], :FD].set(Wsub.T)

    wdf = bd(padw(Wf[:, :FD], C), 8)
    wsf = bd(padw(Wf[:, FD:2 * FD], C), 8)
    wef = bd(padw(Wf[:, 2 * FD:], ED), 8)
    wds = bd(padw(Ws[:, :FD], C), 8)
    wss = bd(padw(Ws[:, FD:2 * FD], C), 8)
    wes = bd(padw(Ws[:, 2 * FD:], ED), 8)
    bfp = jnp.tile(jnp.pad(bf, (0, C - FD))[None, :], (1, 8))
    bsp = jnp.tile(jnp.pad(bs, (0, C - FD))[None, :], (1, 8))
    return wdf, wsf, wef, bfp, wds, wss, wes, bsp


def _cgconv_layer(hp, idxd2, idxs2, dst2, eap, zeros_n, fold, gamma, beta, wts):
    wdf, wsf, wef, bfp, wds, wss, wes, bsp = wts
    xd, xs = _sc_gather(jnp.pad(hp, ((0, NACC - N), (0, 0))), idxd2, idxs2)
    msg = _tc_msg(xd.reshape(ROWS, 128), xs.reshape(ROWS, 128), eap,
                  wdf, wsf, wef, bfp, wds, wss, wes, bsp)
    acc = _sc_scatter_edges(msg.reshape(E, C), dst2, zeros_n)

    def pk(a):
        return jnp.pad(a.reshape(N // 8, 128), ((0, BNR - N // 8), (0, 0)))

    hpk = _tc_bn(pk(acc[0, :N]), pk(acc[1, :N]), pk(hp), fold, gamma, beta)
    return hpk


def kernel(x, edge_index, edge_attr, batch, Wf1, bf1, Ws1, bs1, gamma1, beta1,
           Wf2, bf2, Ws2, bs2, gamma2, beta2, W1, b1, W2, b2):
    xp = jnp.pad(x, ((0, 0), (0, C - FD)))
    src2 = edge_index[0].reshape(E // EB, EB)
    dst2 = edge_index[1].reshape(E // EB, EB)
    eap = edge_attr.reshape(ROWS, 8 * ED)
    zeros_n = jnp.zeros((NACC, C), jnp.float32)
    zeros_g = jnp.zeros((GACC, C), jnp.float32)
    fold = jnp.kron(jnp.ones((8, 1), jnp.float32), jnp.eye(C, dtype=jnp.float32))
    fold = fold.reshape(128, C)
    foldp = jnp.tile(fold, (1, 8))
    g1 = jnp.tile(jnp.pad(gamma1, (0, C - FD))[None, :], (1, 8))
    b1p = jnp.tile(jnp.pad(beta1, (0, C - FD))[None, :], (1, 8))
    g2 = jnp.tile(jnp.pad(gamma2, (0, C - FD))[None, :], (1, 8))
    b2p = jnp.tile(jnp.pad(beta2, (0, C - FD))[None, :], (1, 8))
    wts1 = _layer_weights(Wf1, bf1, Ws1, bs1)
    wts2 = _layer_weights(Wf2, bf2, Ws2, bs2)
    batch_pad = jnp.concatenate([batch, jnp.full((NPAD - N,), G, jnp.int32)])
    batch2 = batch_pad.reshape(NPAD // EB, EB)
    e11 = jnp.zeros((C, C), jnp.float32).at[FD, :].set(1.0)
    w1p = jnp.zeros((C, 8), jnp.float32).at[:FD, :5].set(W1.T)
    b1m = jnp.pad(b1, (0, 3))[None, :]
    w2p = jnp.zeros((8, 8), jnp.float32).at[:5, 0].set(W2[0])
    b2m = jnp.zeros((1, 8), jnp.float32).at[0, 0].set(b2[0])

    h1pk = _cgconv_layer(xp, dst2, src2, dst2, eap, zeros_n, foldp, g1, b1p, wts1)
    h1 = h1pk[:N // 8].reshape(N, C)
    h2pk = _cgconv_layer(h1, dst2, src2, dst2, eap, zeros_n, foldp, g2, b2p, wts2)

    pacc = _sc_scatter_pool(h2pk.reshape(NPAD, C), batch2, zeros_g)
    out = _tc_mlp(pacc[0], pacc[1], e11, w1p, b1m, w2p, b2m)
    return out[:G, :1]

# --- scband reference (transcript-rebuilt; emitter-appended) ---
"""Pipeline reference for scband-graph-conv-net-25649544692460 (READ-ONLY COPY).

The authoritative reference and input builder live on the scoring server;
editing this copy changes nothing except your own understanding.
"""

import jax, jax.numpy as jnp
import numpy as np

N = 100000
E = 6400000
FD = 11
ED = 4
G = 1000
Z = 2 * FD + ED

def setup_inputs(seed: int = 0):
    key = jax.random.key(seed)
    ks = jax.random.split(key, 20)
    inp = {}
    inp['x'] = jax.random.normal(ks[0], (N, FD), dtype=jnp.float32)
    inp['edge_index'] = jax.random.randint(ks[1], (2, E), 0, N, dtype=jnp.int32)
    inp['edge_attr'] = jax.random.normal(ks[2], (E, ED), dtype=jnp.float32)
    inp['batch'] = jnp.sort(jax.random.randint(ks[3], (N,), 0, G, dtype=jnp.int32))
    inp['Wf1'] = jax.random.normal(ks[4], (FD, Z), dtype=jnp.float32) * 0.1
    inp['bf1'] = jnp.zeros((FD,), jnp.float32)
    inp['Ws1'] = jax.random.normal(ks[5], (FD, Z), dtype=jnp.float32) * 0.1
    inp['bs1'] = jnp.zeros((FD,), jnp.float32)
    inp['gamma1'] = jnp.ones((FD,), jnp.float32)
    inp['beta1'] = jnp.zeros((FD,), jnp.float32)
    inp['Wf2'] = jax.random.normal(ks[6], (FD, Z), dtype=jnp.float32) * 0.1
    inp['bf2'] = jnp.zeros((FD,), jnp.float32)
    inp['Ws2'] = jax.random.normal(ks[7], (FD, Z), dtype=jnp.float32) * 0.1
    inp['bs2'] = jnp.zeros((FD,), jnp.float32)
    inp['gamma2'] = jnp.ones((FD,), jnp.float32)
    inp['beta2'] = jnp.zeros((FD,), jnp.float32)
    inp['W1'] = jax.random.normal(ks[8], (5, FD), dtype=jnp.float32) * 0.1
    inp['b1'] = jnp.zeros((5,), jnp.float32)
    inp['W2'] = jax.random.normal(ks[9], (1, 5), dtype=jnp.float32) * 0.1
    inp['b2'] = jnp.zeros((1,), jnp.float32)
    return inp

def cgconv(x, edge_index, edge_attr, Wf, bf, Ws, bs, gamma, beta):
    src = edge_index[0]
    dst = edge_index[1]
    z = jnp.concatenate([x[dst], x[src], edge_attr], axis=-1)
    msg = jax.nn.sigmoid(z @ Wf.T + bf) * jax.nn.softplus(z @ Ws.T + bs)
    agg = jax.ops.segment_sum(msg, dst, num_segments=x.shape[0])
    mean = jnp.mean(agg, axis=0)
    var = jnp.var(agg, axis=0)
    agg = (agg - mean) / jnp.sqrt(var + 1e-5) * gamma + beta
    return agg + x

def reference(x, edge_index, edge_attr, batch, Wf1, bf1, Ws1, bs1, gamma1, beta1, Wf2, bf2, Ws2, bs2, gamma2, beta2, W1, b1, W2, b2):
    h = cgconv(x, edge_index, edge_attr, Wf1, bf1, Ws1, bs1, gamma1, beta1)
    h = cgconv(h, edge_index, edge_attr, Wf2, bf2, Ws2, bs2, gamma2, beta2)
    counts = jax.ops.segment_sum(jnp.ones((h.shape[0],), jnp.float32), batch, num_segments=G)
    pooled = jax.ops.segment_sum(h, batch, num_segments=G) / jnp.clip(counts, 1.0)[:, None]
    h2 = jax.nn.softplus(pooled @ W1.T + b1)
    out = h2 @ W2.T + b2
    return out

if __name__ == "__main__":
    import jax
    _d = setup_inputs()
    print(jax.jit(kernel)(*tuple(_d.values())))

</pallas_src>

<mosaic_0001>
#map = affine_map<(d0, d1) -> (0, 0)>
module attributes {stable_mosaic.version = 14 : i64} {
  func.func @_gather_body(%arg0: i32, %arg1: i32, %arg2: memref<100352x16xf32, #tpu.memory_space<hbm>>, %arg3: memref<50000x128xi32, #tpu.memory_space<hbm>>, %arg4: memref<50000x128xi32, #tpu.memory_space<hbm>>, %arg5: memref<6400000x16xf32, #tpu.memory_space<hbm>>, %arg6: memref<6400000x16xf32, #tpu.memory_space<hbm>>, %arg7: memref<100352x16xf32, #tpu.memory_space<vmem_shared>>, %arg8: memref<4x128xi32, #tpu.memory_space<vmem>>, %arg9: memref<4x128xi32, #tpu.memory_space<vmem>>, %arg10: memref<512x16xf32, #tpu.memory_space<vmem>>, %arg11: memref<512x16xf32, #tpu.memory_space<vmem>>, %arg12: memref<!tpu.dma_semaphore, #tpu.memory_space<semaphore_mem>>, %arg13: memref<!tpu.dma_semaphore, #tpu.memory_space<semaphore_mem>>, %arg14: memref<!tpu.dma_semaphore, #tpu.memory_space<semaphore_mem>>) attributes {dimension_semantics = [#tpu.dimension_semantics<core_parallel>, #tpu.dimension_semantics<subcore_parallel>], iteration_bounds = array<i64: 2, 16>, scalar_prefetch = 0 : i64, scratch_operands = 8 : i64, tpu.core_type = #tpu.core_type<sc_vector_subcore>, window_params = [{transform_indices = #map}, {transform_indices = #map}, {transform_indices = #map}, {transform_indices = #map}, {transform_indices = #map}]} {
    %mul3A = arith.constant 2 : i32
    %mul3A_0 = arith.muli %arg1, %mul3A : i32
    %add3A = arith.addi %mul3A_0, %arg0 : i32
    %lt3A = arith.constant 20 : i32
    %lt3A_1 = arith.cmpi slt, %add3A, %lt3A : i32
    %jit3A = arith.constant 1 : i32
    %jit3A_2 = arith.constant 0 : i32
    %select_n3A = arith.select %lt3A_1, %jit3A, %jit3A_2 : i32
    %add3A_3 = arith.constant 390 : i32
    %add3A_4 = arith.addi %add3A_3, %select_n3A : i32
    %mul3A_5 = arith.constant 6272 : i32
    %mul3A_6 = arith.muli %arg1, %mul3A_5 : i32
    %mul3A_7 = arith.constant 6272 : i32
    %mul3A_8 = arith.muli %arg1, %mul3A_7 : i32
    "tpu.region"() ({
      %run_scoped3A = tpu.sem_alloc : memref<!tpu.dma_semaphore, #tpu.memory_space<semaphore_mem>>
      %dma_start3A = arith.constant 0 : i32
      %dma_start3A_18 = tpu.memref_slice %arg7[%mul3A_8, %dma_start3A] : memref<100352x16xf32, #tpu.memory_space<vmem_shared>> -> memref<6272x16xf32, #tpu.memory_space<vmem_shared>>
      %dma_start3A_19 = arith.constant 0 : i32
      %dma_start3A_20 = tpu.memref_slice %arg2[%mul3A_6, %dma_start3A_19] : memref<100352x16xf32, #tpu.memory_space<hbm>> -> memref<6272x16xf32, #tpu.memory_space<hbm>>
      tpu.enqueue_dma source(%dma_start3A_20 : memref<6272x16xf32, #tpu.memory_space<hbm>>) target(%dma_start3A_18 : memref<6272x16xf32, #tpu.memory_space<vmem_shared>>) target_semaphore(%run_scoped3A : memref<!tpu.dma_semaphore, #tpu.memory_space<semaphore_mem>>)
      %dma_wait3A = arith.constant 0 : i32
      %dma_wait3A_21 = tpu.memref_slice %arg7[%mul3A_8, %dma_wait3A] : memref<100352x16xf32, #tpu.memory_space<vmem_shared>> -> memref<6272x16xf32, #tpu.memory_space<vmem_shared>>
      %dma_wait3A_22 = arith.constant 0 : i32
      %dma_wait3A_23 = tpu.memref_slice %arg2[%mul3A_6, %dma_wait3A_22] : memref<100352x16xf32, #tpu.memory_space<hbm>> -> memref<6272x16xf32, #tpu.memory_space<hbm>>
      tpu.wait_dma2 semaphore(%run_scoped3A : memref<!tpu.dma_semaphore, #tpu.memory_space<semaphore_mem>>) src(%dma_wait3A_23 : memref<6272x16xf32, #tpu.memory_space<hbm>>) dst(%dma_wait3A_21 : memref<6272x16xf32, #tpu.memory_space<vmem_shared>>)
      tpu.yield
    }) : () -> ()
    %barrier3A = arith.constant 0 : index
    tpu.barrier barrier_id(%barrier3A)
    %while3A = arith.constant 0 : i32
    %while3A_9 = arith.constant 0 : i32
    %while3A_10 = arith.subi %add3A_4, %while3A_9 : i32
    %while3A_11 = arith.addi %while3A_9, %while3A_10 : i32
    %while3A_12 = arith.constant 1 : i32
    %while3A_13 = arith.divsi %while3A_10, %while3A_12 : i32
    %while3A_14 = arith.muli %while3A_13, %while3A_12 : i32
    %while3A_15 = arith.addi %while3A_9, %while3A_14 : i32
    %while3A_16 = arith.constant 1 : i32
    scf.for %while3A_18 = %while3A_9 to %while3A_15 step %while3A_16  : i32 {
      %mul3A_19 = arith.constant 32 : i32
      %mul3A_20 = arith.muli %mul3A_19, %while3A_18 : i32
      %add3A_21 = arith.addi %add3A, %mul3A_20 : i32
      %mul3A_22 = arith.constant 4 : i32
      %mul3A_23 = arith.muli %add3A_21, %mul3A_22 : i32
      %mul3A_24 = arith.constant 512 : i32
      %mul3A_25 = arith.muli %add3A_21, %mul3A_24 : i32
      %dma_start3A = arith.constant 0 : i32
      %dma_start3A_26 = tpu.memref_slice %arg3[%mul3A_23, %dma_start3A] : memref<50000x128xi32, #tpu.memory_space<hbm>> -> memref<4x128xi32, #tpu.memory_space<hbm>>
      %dma_start3A_27 = arith.constant 0 : i32
      %dma_start3A_28 = tpu.memref_slice %arg3[%mul3A_23, %dma_start3A_27] : memref<50000x128xi32, #tpu.memory_space<hbm>> -> memref<4x128xi32, #tpu.memory_space<hbm>>
      tpu.enqueue_dma source(%dma_start3A_28 : memref<4x128xi32, #tpu.memory_space<hbm>>) target(%arg8 : memref<4x128xi32, #tpu.memory_space<vmem>>) target_semaphore(%arg12 : memref<!tpu.dma_semaphore, #tpu.memory_space<semaphore_mem>>)
      %dma_start3A_29 = arith.constant 0 : i32
      %dma_start3A_30 = tpu.memref_slice %arg4[%mul3A_23, %dma_start3A_29] : memref<50000x128xi32, #tpu.memory_space<hbm>> -> memref<4x128xi32, #tpu.memory_space<hbm>>
      %dma_start3A_31 = arith.constant 0 : i32
      %dma_start3A_32 = tpu.memref_slice %arg4[%mul3A_23, %dma_start3A_31] : memref<50000x128xi32, #tpu.memory_space<hbm>> -> memref<4x128xi32, #tpu.memory_space<hbm>>
      tpu.enqueue_dma source(%dma_start3A_32 : memref<4x128xi32, #tpu.memory_space<hbm>>) target(%arg9 : memref<4x128xi32, #tpu.memory_space<vmem>>) target_semaphore(%arg12 : memref<!tpu.dma_semaphore, #tpu.memory_space<semaphore_mem>>)
      %dma_wait3A = arith.constant 0 : i32
      %dma_wait3A_33 = tpu.memref_slice %arg3[%mul3A_23, %dma_wait3A] : memref<50000x128xi32, #tpu.memory_space<hbm>> -> memref<4x128xi32, #tpu.memory_space<hbm>>
      %dma_wait3A_34 = arith.constant 0 : i32
      %dma_wait3A_35 = tpu.memref_slice %arg3[%mul3A_23, %dma_wait3A_34] : memref<50000x128xi32, #tpu.memory_space<hbm>> -> memref<4x128xi32, #tpu.memory_space<hbm>>
      tpu.wait_dma2 semaphore(%arg12 : memref<!tpu.dma_semaphore, #tpu.memory_space<semaphore_mem>>) src(%dma_wait3A_35 : memref<4x128xi32, #tpu.memory_space<hbm>>) dst(%arg8 : memref<4x128xi32, #tpu.memory_space<vmem>>)
      %dma_wait3A_36 = arith.constant 0 : i32
      %dma_wait3A_37 = tpu.memref_slice %arg4[%mul3A_23, %dma_wait3A_36] : memref<50000x128xi32, #tpu.memory_space<hbm>> -> memref<4x128xi32, #tpu.memory_space<hbm>>
      %dma_wait3A_38 = arith.constant 0 : i32
      %dma_wait3A_39 = tpu.memref_slice %arg4[%mul3A_23, %dma_wait3A_38] : memref<50000x128xi32, #tpu.memory_space<hbm>> -> memref<4x128xi32, #tpu.memory_space<hbm>>
      tpu.wait_dma2 semaphore(%arg12 : memref<!tpu.dma_semaphore, #tpu.memory_space<semaphore_mem>>) src(%dma_wait3A_39 : memref<4x128xi32, #tpu.memory_space<hbm>>) dst(%arg9 : memref<4x128xi32, #tpu.memory_space<vmem>>)
      %scan3A = arith.constant 0 : i32
      %scan3A_40 = arith.constant 0 : i32
      %scan3A_41 = arith.constant 4 : i32
      %scan3A_42 = arith.addi %scan3A_40, %scan3A_41 : i32
      %scan3A_43 = arith.constant 1 : i32
      scf.for %scan3A_67 = %scan3A_40 to %scan3A_42 step %scan3A_43  : i32 {
        %mul3A_68 = arith.constant 128 : i32
        %mul3A_69 = arith.muli %scan3A_67, %mul3A_68 : i32
        %dma_start3A_70 = arith.constant 0 : i32
        %dma_start3A_71 = tpu.memref_slice %arg10[%mul3A_69, %dma_start3A_70] : memref<512x16xf32, #tpu.memory_space<vmem>> -> memref<128x16xf32, #tpu.memory_space<vmem>>
        %dma_start3A_72 = arith.constant 0 : i32
        %dma_start3A_73 = tpu.memref_slice %arg8[%scan3A_67, %dma_start3A_72] : memref<4x128xi32, #tpu.memory_space<vmem>> -> memref<1x128xi32, #tpu.memory_space<vmem>>
        %dma_start3A_74 = tpu.memref_squeeze %dma_start3A_73 : memref<1x128xi32, #tpu.memory_space<vmem>> -> memref<128xi32, #tpu.memory_space<vmem>>
        %dma_start3A_75 = arith.constant 0 : i32
        %dma_start3A_76 = arith.constant 0 : i32
        %dma_start3A_77 = tpu.memref_slice %arg7[%dma_start3A_75, %dma_start3A_76] : memref<100352x16xf32, #tpu.memory_space<vmem_shared>> -> memref<100352x16xf32, #tpu.memory_space<vmem_shared>>
        tpu.enqueue_indirect_dma source(%dma_start3A_77 : memref<100352x16xf32, #tpu.memory_space<vmem_shared>>) target(%dma_start3A_71 : memref<128x16xf32, #tpu.memory_space<vmem>>) offsets(%dma_start3A_74 : memref<128xi32, #tpu.memory_space<vmem>>) semaphore(%arg13 : memref<!tpu.dma_semaphore, #tpu.memory_space<semaphore_mem>>)
        %mul3A_78 = arith.constant 128 : i32
        %mul3A_79 = arith.muli %scan3A_67, %mul3A_78 : i32
        %dma_start3A_80 = arith.constant 0 : i32
        %dma_start3A_81 = tpu.memref_slice %arg11[%mul3A_79, %dma_start3A_80] : memref<512x16xf32, #tpu.memory_space<vmem>> -> memref<128x16xf32, #tpu.memory_space<vmem>>
        %dma_start3A_82 = arith.constant 0 : i32
        %dma_start3A_83 = tpu.memref_slice %arg9[%scan3A_67, %dma_start3A_82] : memref<4x128xi32, #tpu.memory_space<vmem>> -> memref<1x128xi32, #tpu.memory_space<vmem>>
        %dma_start3A_84 = tpu.memref_squeeze %dma_start3A_83 : memref<1x128xi32, #tpu.memory_space<vmem>> -> memref<128xi32, #tpu.memory_space<vmem>>
        %dma_start3A_85 = arith.constant 0 : i32
        %dma_start3A_86 = arith.constant 0 : i32
        %dma_start3A_87 = tpu.memref_slice %arg7[%dma_start3A_85, %dma_start3A_86] : memref<100352x16xf32, #tpu.memory_space<vmem_shared>> -> memref<100352x16xf32, #tpu.memory_space<vmem_shared>>
        tpu.enqueue_indirect_dma source(%dma_start3A_87 : memref<100352x16xf32, #tpu.memory_space<vmem_shared>>) target(%dma_start3A_81 : memref<128x16xf32, #tpu.memory_space<vmem>>) offsets(%dma_start3A_84 : memref<128xi32, #tpu.memory_space<vmem>>) semaphore(%arg13 : memref<!tpu.dma_semaphore, #tpu.memory_space<semaphore_mem>>)
      }
      %scan3A_44 = arith.constant 4 : i32
      %scan3A_45 = arith.constant 0 : i32
      %scan3A_46 = arith.constant 0 : i32
      %scan3A_47 = arith.constant 4 : i32
      %scan3A_48 = arith.addi %scan3A_46, %scan3A_47 : i32
      %scan3A_49 = arith.constant 1 : i32
      scf.for %scan3A_67 = %scan3A_46 to %scan3A_48 step %scan3A_49  : i32 {
        %mul3A_68 = arith.constant 128 : i32
        %mul3A_69 = arith.muli %scan3A_67, %mul3A_68 : i32
        %dma_wait3A_70 = arith.constant 0 : i32
        %dma_wait3A_71 = tpu.memref_slice %arg10[%mul3A_69, %dma_wait3A_70] : memref<512x16xf32, #tpu.memory_space<vmem>> -> memref<128x16xf32, #tpu.memory_space<vmem>>
        %dma_wait3A_72 = arith.constant 0 : i32
        %dma_wait3A_73 = tpu.memref_slice %arg8[%scan3A_67, %dma_wait3A_72] : memref<4x128xi32, #tpu.memory_space<vmem>> -> memref<1x128xi32, #tpu.memory_space<vmem>>
        %dma_wait3A_74 = tpu.memref_squeeze %dma_wait3A_73 : memref<1x128xi32, #tpu.memory_space<vmem>> -> memref<128xi32, #tpu.memory_space<vmem>>
        %dma_wait3A_75 = arith.constant 0 : i32
        %dma_wait3A_76 = arith.constant 0 : i32
        %dma_wait3A_77 = tpu.memref_slice %arg7[%dma_wait3A_75, %dma_wait3A_76] : memref<100352x16xf32, #tpu.memory_space<vmem_shared>> -> memref<100352x16xf32, #tpu.memory_space<vmem_shared>>
        tpu.wait_indirect_dma semaphore(%arg13 : memref<!tpu.dma_semaphore, #tpu.memory_space<semaphore_mem>>) src(%dma_wait3A_77 : memref<100352x16xf32, #tpu.memory_space<vmem_shared>>) dst(%dma_wait3A_71 : memref<128x16xf32, #tpu.memory_space<vmem>>)
        %mul3A_78 = arith.constant 128 : i32
        %mul3A_79 = arith.muli %scan3A_67, %mul3A_78 : i32
        %dma_wait3A_80 = arith.constant 0 : i32
        %dma_wait3A_81 = tpu.memref_slice %arg11[%mul3A_79, %dma_wait3A_80] : memref<512x16xf32, #tpu.memory_space<vmem>> -> memref<128x16xf32, #tpu.memory_space<vmem>>
        %dma_wait3A_82 = arith.constant 0 : i32
        %dma_wait3A_83 = tpu.memref_slice %arg9[%scan3A_67, %dma_wait3A_82] : memref<4x128xi32, #tpu.memory_space<vmem>> -> memref<1x128xi32, #tpu.memory_space<vmem>>
        %dma_wait3A_84 = tpu.memref_squeeze %dma_wait3A_83 : memref<1x128xi32, #tpu.memory_space<vmem>> -> memref<128xi32, #tpu.memory_space<vmem>>
        %dma_wait3A_85 = arith.constant 0 : i32
        %dma_wait3A_86 = arith.constant 0 : i32
        %dma_wait3A_87 = tpu.memref_slice %arg7[%dma_wait3A_85, %dma_wait3A_86] : memref<100352x16xf32, #tpu.memory_space<vmem_shared>> -> memref<100352x16xf32, #tpu.memory_space<vmem_shared>>
        tpu.wait_indirect_dma semaphore(%arg13 : memref<!tpu.dma_semaphore, #tpu.memory_space<semaphore_mem>>) src(%dma_wait3A_87 : memref<100352x16xf32, #tpu.memory_space<vmem_shared>>) dst(%dma_wait3A_81 : memref<128x16xf32, #tpu.memory_space<vmem>>)
      }
      %scan3A_50 = arith.constant 4 : i32
      %dma_start3A_51 = arith.constant 0 : i32
      %dma_start3A_52 = tpu.memref_slice %arg5[%mul3A_25, %dma_start3A_51] : memref<6400000x16xf32, #tpu.memory_space<hbm>> -> memref<512x16xf32, #tpu.memory_space<hbm>>
      %dma_start3A_53 = arith.constant 0 : i32
      %dma_start3A_54 = tpu.memref_slice %arg5[%mul3A_25, %dma_start3A_53] : memref<6400000x16xf32, #tpu.memory_space<hbm>> -> memref<512x16xf32, #tpu.memory_space<hbm>>
      tpu.enqueue_dma source(%arg10 : memref<512x16xf32, #tpu.memory_space<vmem>>) target(%dma_start3A_54 : memref<512x16xf32, #tpu.memory_space<hbm>>) target_semaphore(%arg14 : memref<!tpu.dma_semaphore, #tpu.memory_space<semaphore_mem>>)
      %dma_start3A_55 = arith.constant 0 : i32
      %dma_start3A_56 = tpu.memref_slice %arg6[%mul3A_25, %dma_start3A_55] : memref<6400000x16xf32, #tpu.memory_space<hbm>> -> memref<512x16xf32, #tpu.memory_space<hbm>>
      %dma_start3A_57 = arith.constant 0 : i32
      %dma_start3A_58 = tpu.memref_slice %arg6[%mul3A_25, %dma_start3A_57] : memref<6400000x16xf32, #tpu.memory_space<hbm>> -> memref<512x16xf32, #tpu.memory_space<hbm>>
      tpu.enqueue_dma source(%arg11 : memref<512x16xf32, #tpu.memory_space<vmem>>) target(%dma_start3A_58 : memref<512x16xf32, #tpu.memory_space<hbm>>) target_semaphore(%arg14 : memref<!tpu.dma_semaphore, #tpu.memory_space<semaphore_mem>>)
      %dma_wait3A_59 = arith.constant 0 : i32
      %dma_wait3A_60 = tpu.memref_slice %arg5[%mul3A_25, %dma_wait3A_59] : memref<6400000x16xf32, #tpu.memory_space<hbm>> -> memref<512x16xf32, #tpu.memory_space<hbm>>
      %dma_wait3A_61 = arith.constant 0 : i32
      %dma_wait3A_62 = tpu.memref_slice %arg5[%mul3A_25, %dma_wait3A_61] : memref<6400000x16xf32, #tpu.memory_space<hbm>> -> memref<512x16xf32, #tpu.memory_space<hbm>>
      tpu.wait_dma2 semaphore(%arg14 : memref<!tpu.dma_semaphore, #tpu.memory_space<semaphore_mem>>) src(%arg10 : memref<512x16xf32, #tpu.memory_space<vmem>>) dst(%dma_wait3A_62 : memref<512x16xf32, #tpu.memory_space<hbm>>)
      %dma_wait3A_63 = arith.constant 0 : i32
      %dma_wait3A_64 = tpu.memref_slice %arg6[%mul3A_25, %dma_wait3A_63] : memref<6400000x16xf32, #tpu.memory_space<hbm>> -> memref<512x16xf32, #tpu.memory_space<hbm>>
      %dma_wait3A_65 = arith.constant 0 : i32
      %dma_wait3A_66 = tpu.memref_slice %arg6[%mul3A_25, %dma_wait3A_65] : memref<6400000x16xf32, #tpu.memory_space<hbm>> -> memref<512x16xf32, #tpu.memory_space<hbm>>
      tpu.wait_dma2 semaphore(%arg14 : memref<!tpu.dma_semaphore, #tpu.memory_space<semaphore_mem>>) src(%arg11 : memref<512x16xf32, #tpu.memory_space<vmem>>) dst(%dma_wait3A_66 : memref<512x16xf32, #tpu.memory_space<hbm>>)
    }
    %while3A_17 = arith.constant 1 : i32
    scf.for %while3A_18 = %while3A_15 to %while3A_11 step %while3A_17  : i32 {
      %mul3A_19 = arith.constant 32 : i32
      %mul3A_20 = arith.muli %mul3A_19, %while3A_18 : i32
      %add3A_21 = arith.addi %add3A, %mul3A_20 : i32
      %mul3A_22 = arith.constant 4 : i32
      %mul3A_23 = arith.muli %add3A_21, %mul3A_22 : i32
      %mul3A_24 = arith.constant 512 : i32
      %mul3A_25 = arith.muli %add3A_21, %mul3A_24 : i32
      %dma_start3A = arith.constant 0 : i32
      %dma_start3A_26 = tpu.memref_slice %arg3[%mul3A_23, %dma_start3A] : memref<50000x128xi32, #tpu.memory_space<hbm>> -> memref<4x128xi32, #tpu.memory_space<hbm>>
      %dma_start3A_27 = arith.constant 0 : i32
      %dma_start3A_28 = tpu.memref_slice %arg3[%mul3A_23, %dma_start3A_27] : memref<50000x128xi32, #tpu.memory_space<hbm>> -> memref<4x128xi32, #tpu.memory_space<hbm>>
      tpu.enqueue_dma source(%dma_start3A_28 : memref<4x128xi32, #tpu.memory_space<hbm>>) target(%arg8 : memref<4x128xi32, #tpu.memory_space<vmem>>) target_semaphore(%arg12 : memref<!tpu.dma_semaphore, #tpu.memory_space<semaphore_mem>>)
      %dma_start3A_29 = arith.constant 0 : i32
      %dma_start3A_30 = tpu.memref_slice %arg4[%mul3A_23, %dma_start3A_29] : memref<50000x128xi32, #tpu.memory_space<hbm>> -> memref<4x128xi32, #tpu.memory_space<hbm>>
      %dma_start3A_31 = arith.constant 0 : i32
      %dma_start3A_32 = tpu.memref_slice %arg4[%mul3A_23, %dma_start3A_31] : memref<50000x128xi32, #tpu.memory_space<hbm>> -> memref<4x128xi32, #tpu.memory_space<hbm>>
      tpu.enqueue_dma source(%dma_start3A_32 : memref<4x128xi32, #tpu.memory_space<hbm>>) target(%arg9 : memref<4x128xi32, #tpu.memory_space<vmem>>) target_semaphore(%arg12 : memref<!tpu.dma_semaphore, #tpu.memory_space<semaphore_mem>>)
      %dma_wait3A = arith.constant 0 : i32
      %dma_wait3A_33 = tpu.memref_slice %arg3[%mul3A_23, %dma_wait3A] : memref<50000x128xi32, #tpu.memory_space<hbm>> -> memref<4x128xi32, #tpu.memory_space<hbm>>
      %dma_wait3A_34 = arith.constant 0 : i32
      %dma_wait3A_35 = tpu.memref_slice %arg3[%mul3A_23, %dma_wait3A_34] : memref<50000x128xi32, #tpu.memory_space<hbm>> -> memref<4x128xi32, #tpu.memory_space<hbm>>
      tpu.wait_dma2 semaphore(%arg12 : memref<!tpu.dma_semaphore, #tpu.memory_space<semaphore_mem>>) src(%dma_wait3A_35 : memref<4x128xi32, #tpu.memory_space<hbm>>) dst(%arg8 : memref<4x128xi32, #tpu.memory_space<vmem>>)
      %dma_wait3A_36 = arith.constant 0 : i32
      %dma_wait3A_37 = tpu.memref_slice %arg4[%mul3A_23, %dma_wait3A_36] : memref<50000x128xi32, #tpu.memory_space<hbm>> -> memref<4x128xi32, #tpu.memory_space<hbm>>
      %dma_wait3A_38 = arith.constant 0 : i32
      %dma_wait3A_39 = tpu.memref_slice %arg4[%mul3A_23, %dma_wait3A_38] : memref<50000x128xi32, #tpu.memory_space<hbm>> -> memref<4x128xi32, #tpu.memory_space<hbm>>
      tpu.wait_dma2 semaphore(%arg12 : memref<!tpu.dma_semaphore, #tpu.memory_space<semaphore_mem>>) src(%dma_wait3A_39 : memref<4x128xi32, #tpu.memory_space<hbm>>) dst(%arg9 : memref<4x128xi32, #tpu.memory_space<vmem>>)
      %scan3A = arith.constant 0 : i32
      %scan3A_40 = arith.constant 0 : i32
      %scan3A_41 = arith.constant 4 : i32
      %scan3A_42 = arith.addi %scan3A_40, %scan3A_41 : i32
      %scan3A_43 = arith.constant 1 : i32
      scf.for %scan3A_67 = %scan3A_40 to %scan3A_42 step %scan3A_43  : i32 {
        %mul3A_68 = arith.constant 128 : i32
        %mul3A_69 = arith.muli %scan3A_67, %mul3A_68 : i32
        %dma_start3A_70 = arith.constant 0 : i32
        %dma_start3A_71 = tpu.memref_slice %arg10[%mul3A_69, %dma_start3A_70] : memref<512x16xf32, #tpu.memory_space<vmem>> -> memref<128x16xf32, #tpu.memory_space<vmem>>
        %dma_start3A_72 = arith.constant 0 : i32
        %dma_start3A_73 = tpu.memref_slice %arg8[%scan3A_67, %dma_start3A_72] : memref<4x128xi32, #tpu.memory_space<vmem>> -> memref<1x128xi32, #tpu.memory_space<vmem>>
        %dma_start3A_74 = tpu.memref_squeeze %dma_start3A_73 : memref<1x128xi32, #tpu.memory_space<vmem>> -> memref<128xi32, #tpu.memory_space<vmem>>
        %dma_start3A_75 = arith.constant 0 : i32
        %dma_start3A_76 = arith.constant 0 : i32
        %dma_start3A_77 = tpu.memref_slice %arg7[%dma_start3A_75, %dma_start3A_76] : memref<100352x16xf32, #tpu.memory_space<vmem_shared>> -> memref<100352x16xf32, #tpu.memory_space<vmem_shared>>
        tpu.enqueue_indirect_dma source(%dma_start3A_77 : memref<100352x16xf32, #tpu.memory_space<vmem_shared>>) target(%dma_start3A_71 : memref<128x16xf32, #tpu.memory_space<vmem>>) offsets(%dma_start3A_74 : memref<128xi32, #tpu.memory_space<vmem>>) semaphore(%arg13 : memref<!tpu.dma_semaphore, #tpu.memory_space<semaphore_mem>>)
        %mul3A_78 = arith.constant 128 : i32
        %mul3A_79 = arith.muli %scan3A_67, %mul3A_78 : i32
        %dma_start3A_80 = arith.constant 0 : i32
        %dma_start3A_81 = tpu.memref_slice %arg11[%mul3A_79, %dma_start3A_80] : memref<512x16xf32, #tpu.memory_space<vmem>> -> memref<128x16xf32, #tpu.memory_space<vmem>>
        %dma_start3A_82 = arith.constant 0 : i32
        %dma_start3A_83 = tpu.memref_slice %arg9[%scan3A_67, %dma_start3A_82] : memref<4x128xi32, #tpu.memory_space<vmem>> -> memref<1x128xi32, #tpu.memory_space<vmem>>
        %dma_start3A_84 = tpu.memref_squeeze %dma_start3A_83 : memref<1x128xi32, #tpu.memory_space<vmem>> -> memref<128xi32, #tpu.memory_space<vmem>>
        %dma_start3A_85 = arith.constant 0 : i32
        %dma_start3A_86 = arith.constant 0 : i32
        %dma_start3A_87 = tpu.memref_slice %arg7[%dma_start3A_85, %dma_start3A_86] : memref<100352x16xf32, #tpu.memory_space<vmem_shared>> -> memref<100352x16xf32, #tpu.memory_space<vmem_shared>>
        tpu.enqueue_indirect_dma source(%dma_start3A_87 : memref<100352x16xf32, #tpu.memory_space<vmem_shared>>) target(%dma_start3A_81 : memref<128x16xf32, #tpu.memory_space<vmem>>) offsets(%dma_start3A_84 : memref<128xi32, #tpu.memory_space<vmem>>) semaphore(%arg13 : memref<!tpu.dma_semaphore, #tpu.memory_space<semaphore_mem>>)
      }
      %scan3A_44 = arith.constant 4 : i32
      %scan3A_45 = arith.constant 0 : i32
      %scan3A_46 = arith.constant 0 : i32
      %scan3A_47 = arith.constant 4 : i32
      %scan3A_48 = arith.addi %scan3A_46, %scan3A_47 : i32
      %scan3A_49 = arith.constant 1 : i32
      scf.for %scan3A_67 = %scan3A_46 to %scan3A_48 step %scan3A_49  : i32 {
        %mul3A_68 = arith.constant 128 : i32
        %mul3A_69 = arith.muli %scan3A_67, %mul3A_68 : i32
        %dma_wait3A_70 = arith.constant 0 : i32
        %dma_wait3A_71 = tpu.memref_slice %arg10[%mul3A_69, %dma_wait3A_70] : memref<512x16xf32, #tpu.memory_space<vmem>> -> memref<128x16xf32, #tpu.memory_space<vmem>>
        %dma_wait3A_72 = arith.constant 0 : i32
        %dma_wait3A_73 = tpu.memref_slice %arg8[%scan3A_67, %dma_wait3A_72] : memref<4x128xi32, #tpu.memory_space<vmem>> -> memref<1x128xi32, #tpu.memory_space<vmem>>
        %dma_wait3A_74 = tpu.memref_squeeze %dma_wait3A_73 : memref<1x128xi32, #tpu.memory_space<vmem>> -> memref<128xi32, #tpu.memory_space<vmem>>
        %dma_wait3A_75 = arith.constant 0 : i32
        %dma_wait3A_76 = arith.constant 0 : i32
        %dma_wait3A_77 = tpu.memref_slice %arg7[%dma_wait3A_75, %dma_wait3A_76] : memref<100352x16xf32, #tpu.memory_space<vmem_shared>> -> memref<100352x16xf32, #tpu.memory_space<vmem_shared>>
        tpu.wait_indirect_dma semaphore(%arg13 : memref<!tpu.dma_semaphore, #tpu.memory_space<semaphore_mem>>) src(%dma_wait3A_77 : memref<100352x16xf32, #tpu.memory_space<vmem_shared>>) dst(%dma_wait3A_71 : memref<128x16xf32, #tpu.memory_space<vmem>>)
        %mul3A_78 = arith.constant 128 : i32
        %mul3A_79 = arith.muli %scan3A_67, %mul3A_78 : i32
        %dma_wait3A_80 = arith.constant 0 : i32
        %dma_wait3A_81 = tpu.memref_slice %arg11[%mul3A_79, %dma_wait3A_80] : memref<512x16xf32, #tpu.memory_space<vmem>> -> memref<128x16xf32, #tpu.memory_space<vmem>>
        %dma_wait3A_82 = arith.constant 0 : i32
        %dma_wait3A_83 = tpu.memref_slice %arg9[%scan3A_67, %dma_wait3A_82] : memref<4x128xi32, #tpu.memory_space<vmem>> -> memref<1x128xi32, #tpu.memory_space<vmem>>
        %dma_wait3A_84 = tpu.memref_squeeze %dma_wait3A_83 : memref<1x128xi32, #tpu.memory_space<vmem>> -> memref<128xi32, #tpu.memory_space<vmem>>
        %dma_wait3A_85 = arith.constant 0 : i32
        %dma_wait3A_86 = arith.constant 0 : i32
        %dma_wait3A_87 = tpu.memref_slice %arg7[%dma_wait3A_85, %dma_wait3A_86] : memref<100352x16xf32, #tpu.memory_space<vmem_shared>> -> memref<100352x16xf32, #tpu.memory_space<vmem_shared>>
        tpu.wait_indirect_dma semaphore(%arg13 : memref<!tpu.dma_semaphore, #tpu.memory_space<semaphore_mem>>) src(%dma_wait3A_87 : memref<100352x16xf32, #tpu.memory_space<vmem_shared>>) dst(%dma_wait3A_81 : memref<128x16xf32, #tpu.memory_space<vmem>>)
      }
      %scan3A_50 = arith.constant 4 : i32
      %dma_start3A_51 = arith.constant 0 : i32
      %dma_start3A_52 = tpu.memref_slice %arg5[%mul3A_25, %dma_start3A_51] : memref<6400000x16xf32, #tpu.memory_space<hbm>> -> memref<512x16xf32, #tpu.memory_space<hbm>>
      %dma_start3A_53 = arith.constant 0 : i32
      %dma_start3A_54 = tpu.memref_slice %arg5[%mul3A_25, %dma_start3A_53] : memref<6400000x16xf32, #tpu.memory_space<hbm>> -> memref<512x16xf32, #tpu.memory_space<hbm>>
      tpu.enqueue_dma source(%arg10 : memref<512x16xf32, #tpu.memory_space<vmem>>) target(%dma_start3A_54 : memref<512x16xf32, #tpu.memory_space<hbm>>) target_semaphore(%arg14 : memref<!tpu.dma_semaphore, #tpu.memory_space<semaphore_mem>>)
      %dma_start3A_55 = arith.constant 0 : i32
      %dma_start3A_56 = tpu.memref_slice %arg6[%mul3A_25, %dma_start3A_55] : memref<6400000x16xf32, #tpu.memory_space<hbm>> -> memref<512x16xf32, #tpu.memory_space<hbm>>
      %dma_start3A_57 = arith.constant 0 : i32
      %dma_start3A_58 = tpu.memref_slice %arg6[%mul3A_25, %dma_start3A_57] : memref<6400000x16xf32, #tpu.memory_space<hbm>> -> memref<512x16xf32, #tpu.memory_space<hbm>>
      tpu.enqueue_dma source(%arg11 : memref<512x16xf32, #tpu.memory_space<vmem>>) target(%dma_start3A_58 : memref<512x16xf32, #tpu.memory_space<hbm>>) target_semaphore(%arg14 : memref<!tpu.dma_semaphore, #tpu.memory_space<semaphore_mem>>)
      %dma_wait3A_59 = arith.constant 0 : i32
      %dma_wait3A_60 = tpu.memref_slice %arg5[%mul3A_25, %dma_wait3A_59] : memref<6400000x16xf32, #tpu.memory_space<hbm>> -> memref<512x16xf32, #tpu.memory_space<hbm>>
      %dma_wait3A_61 = arith.constant 0 : i32
      %dma_wait3A_62 = tpu.memref_slice %arg5[%mul3A_25, %dma_wait3A_61] : memref<6400000x16xf32, #tpu.memory_space<hbm>> -> memref<512x16xf32, #tpu.memory_space<hbm>>
      tpu.wait_dma2 semaphore(%arg14 : memref<!tpu.dma_semaphore, #tpu.memory_space<semaphore_mem>>) src(%arg10 : memref<512x16xf32, #tpu.memory_space<vmem>>) dst(%dma_wait3A_62 : memref<512x16xf32, #tpu.memory_space<hbm>>)
      %dma_wait3A_63 = arith.constant 0 : i32
      %dma_wait3A_64 = tpu.memref_slice %arg6[%mul3A_25, %dma_wait3A_63] : memref<6400000x16xf32, #tpu.memory_space<hbm>> -> memref<512x16xf32, #tpu.memory_space<hbm>>
      %dma_wait3A_65 = arith.constant 0 : i32
      %dma_wait3A_66 = tpu.memref_slice %arg6[%mul3A_25, %dma_wait3A_65] : memref<6400000x16xf32, #tpu.memory_space<hbm>> -> memref<512x16xf32, #tpu.memory_space<hbm>>
      tpu.wait_dma2 semaphore(%arg14 : memref<!tpu.dma_semaphore, #tpu.memory_space<semaphore_mem>>) src(%arg11 : memref<512x16xf32, #tpu.memory_space<vmem>>) dst(%dma_wait3A_66 : memref<512x16xf32, #tpu.memory_space<hbm>>)
    }
    return
  }
}

</mosaic_0001>

<sc_bundles>
// kernel: _sc_gather.3.cloned.1.call-start
scs
__scs_entry_jumppad:
0x0: {  	(pc) =	sbr.rel $0x88, $3  }
0x1: {  	(tag) =	ssettag $0x0;
	lr =	simm.s32 $0x1  }
0x2: {  	[smem:$0x3F9E] =	sst lr;
	_ =	strace $0xD0000000  }
0x3: {  	_ = 	snop  }
0x4: {  	_ = 	snop  }
0x5: {  	_ = 	snop  }
0x6: {  	_ = 	snop  }
0x7: {  	_ = 	snop  }
__scs_overlays_trampoline_lowered:
0x8: {  	[smem:$0x3FAD] =	sst s0  }
0x9: {  	[smem:$0x3FAE] =	sst s1  }
0xa: {  	[smem:$0x3FAF] =	sst s2  }
0xb: {  	[smem:$0x3FB0] =	sst s3  }
0xc: {  	[smem:$0x3FB1] =	sst s4  }
0xd: {  	[smem:$0x3FB2] =	sst s5  }
0xe: {  	[smem:$0x3FB3] =	sst s6  }
0xf: {  	[smem:$0x3FB4] =	sst s7  }
0x10: {  	[smem:$0x3FB5] =	sst s8  }
0x11: {  	[smem:$0x3FB6] =	sst s9;
	s0 =	simm.s32 @!p0 $0x0  }
0x12: {  	s1 =	sld [smem:$0x3F9C];
	s0 =	simm.s32 @p0 $0x1  }
0x13: {  	[smem:$0x3FB7] =	sst s0;
	s0 =	simm.s32 @!p1 $0x0  }
0x14: {  	s2 =	sld [smem:$0x3F9B];
	s0 =	simm.s32 @p1 $0x1  }
0x15: {  	[smem:$0x3FB8] =	sst s0;
	s0 =	simm.s32 @!p2 $0x0  }
0x16: {  	s3 =	sld [smem:$0x3FDB];
	s0 =	simm.s32 @p2 $0x1  }
0x17: {  	s4 =	simm.s32 $0x1BF5;
	[smem:$0x3FBA] =	sst s0  }
0x18: {  	s0 =	sld [smem:$0x3F9D];
	_ =	swait.ge [sflag:s4], $0x0  }
0x19: {  	s7 =	sld [smem:$0x3F9E]  }
0x1a: {  	s8 =	sadd.s32 $0xFFFFE003, lr  }
0x1b: {  	s9 =	sadd.s32 $0xFFFFFEF7, lr;
	s5 =	simm.s32 $0xFFFFFFFF;
	p2 =	slt.u32 s8, $0xFFFFF086  }
0x1c: {  	p1 =	slt.u32 s9, $0xF7A;
	s5 =	simm.s32 @!p2 $0x0  }
0x1d: {  	s5 =	simm.s32 @p1 $0x1;
	p0 =	seq.s32 s7, s2  }
0x1e: {  	s7 =	smul.u32 @!p0 $0xF7A, s2;
	p2 =	seq.s32 @!p0 s5, $0x0  }
0x1f: {  	s9 =	smul.u32 $0xF7A, s1;
	s8 =	simm.s32 @!p0 $0x1BF5;
	p2 =	por !p2, p0  }
0x20: {  	[sflag:s8] =	ssyncset.s32 @!p0 $0xFFFFF086;
	s6 =	sadd.s32 @!p0 s3, s7;
	s7 =	simm.s32 @!p0 $0x108  }
0x21: {  	s3 =	sadd.s32 s3, s9;
	s6 =	sadd.s32 @!p0 $0x88, s6;
	s7 =	simm.s32 @p2 $0x1082  }
0x22: {  	[simem:s7], [sflag:s8] =	dma.local @!p0 [hbm:s6], $0xF7A  }
0x23: {  	s9 =	sor.u32 $0xD0000000, s2;
	s6 =	simm.s32 $0x108;
	_ =	swait.ge @!p0 [sflag:s8], $0x0  }
0x24: {  	s3 =	sadd.s32 $0x88, s3;
	s6 =	simm.s32 @!p1 $0x1082;
	[sflag:s4] =	ssyncset.s32 $0xFFFFF086  }
0x25: {  	[simem:s6], [sflag:s4] =	dma.local [hbm:s3], $0xF7A  }
0x26: {  	[smem:$0x3F9E] =	sst s1;
	(tag) =	ssettag s2;
	_ =	strace s9  }
0x27: {  	s1 =	sld [smem:$0x3FAE]  }
0x28: {  	s2 =	sld [smem:$0x3FAF]  }
0x29: {  	s4 =	sld [smem:$0x3FB1]  }
0x2a: {  	p0 =	seq.s32 s5, $0x0;
	s5 =	sld [smem:$0x3FB2]  }
0x2b: {  	s6 =	sld [smem:$0x3FB3]  }
0x2c: {  	s7 =	sld [smem:$0x3FB4]  }
0x2d: {  	s3 =	simm.s32 $0x108;
	s8 =	sld [smem:$0x3FB5]  }
0x2e: {  	s3 =	simm.s32 @!p0 $0x1082;
	s9 =	sld [smem:$0x3FB6]  }
0x2f: {  	lr =	sadd.s32 s0, s3;
	s0 =	sld [smem:$0x3FAD]  }
0x30: {  	s3 =	sld [smem:$0x3FB0]  }
0x31: {  	[smem:$0x3FB9] =	sst s10  }
0x32: {  	s10 =	sld [smem:$0x3FB7];
	_ =	sdelay $0x3  }
0x33: {  	p0 =	seq.s32 s10, $0x1;
	s10 =	sld [smem:$0x3FB9];
	_ =	sdelay $0x3  }
0x34: {  	[smem:$0x3FB9] =	sst s10  }
0x35: {  	s10 =	sld [smem:$0x3FB8];
	_ =	sdelay $0x3  }
0x36: {  	p1 =	seq.s32 s10, $0x1;
	s10 =	sld [smem:$0x3FB9];
	_ =	sdelay $0x3  }
0x37: {  	[smem:$0x3FB9] =	sst s10  }
0x38: {  	s10 =	sld [smem:$0x3FBA]  }
0x39: {  	_ = 	snop;
	(pc) =	sbr.ind lr, $3  }
0x3a: {  	_ = 	snop  }
0x3b: {  	_ = 	snop  }
0x3c: {  	p2 =	seq.s32 s10, $0x1;
	s10 =	sld [smem:$0x3FB9]  }
0x3d: {  	_ =	shalt  }
0x3e: {  	_ =	shalt  }
0x3f: {  	_ =	shalt  }
0x40: {  	_ =	shalt  }
0x41: {  	_ =	shalt  }
0x42: {  	_ =	shalt  }
0x43: {  	_ =	shalt  }
0x44: {  	_ =	shalt  }
0x45: {  	_ =	shalt  }
0x46: {  	_ =	shalt  }
0x47: {  	_ =	shalt  }
0x48: {  	_ =	shalt  }
0x49: {  	_ =	shalt  }
0x4a: {  	_ =	shalt  }
0x4b: {  	_ =	shalt  }
0x4c: {  	_ =	shalt  }
0x4d: {  	_ =	shalt  }
0x4e: {  	_ =	shalt  }
0x4f: {  	_ =	shalt  }
0x50: {  	_ =	shalt  }
0x51: {  	_ =	shalt  }
0x52: {  	_ =	shalt  }
0x53: {  	_ =	shalt  }
0x54: {  	_ =	shalt  }
0x55: {  	_ =	shalt  }
0x56: {  	_ =	shalt  }
0x57: {  	_ =	shalt  }
0x58: {  	_ =	shalt  }
0x59: {  	_ =	shalt  }
0x5a: {  	_ =	shalt  }
0x5b: {  	_ =	shalt  }
0x5c: {  	_ =	shalt  }
0x5d: {  	_ =	shalt  }
0x5e: {  	_ =	shalt  }
0x5f: {  	_ =	shalt  }
0x60: {  	_ =	shalt  }
0x61: {  	_ =	shalt  }
0x62: {  	_ =	shalt  }
0x63: {  	_ =	shalt  }
0x64: {  	_ =	shalt  }
0x65: {  	_ =	shalt  }
0x66: {  	_ =	shalt  }
0x67: {  	_ =	shalt  }
0x68: {  	_ =	shalt  }
0x69: {  	_ =	shalt  }
0x6a: {  	_ =	shalt  }
0x6b: {  	_ =	shalt  }
0x6c: {  	_ =	shalt  }
0x6d: {  	_ =	shalt  }
0x6e: {  	_ =	shalt  }
0x6f: {  	_ =	shalt  }
0x70: {  	_ =	shalt  }
0x71: {  	_ =	shalt  }
0x72: {  	_ =	shalt  }
0x73: {  	_ =	shalt  }
0x74: {  	_ =	shalt  }
0x75: {  	_ =	shalt  }
0x76: {  	_ =	shalt  }
0x77: {  	_ =	shalt  }
0x78: {  	_ =	shalt  }
0x79: {  	_ =	shalt  }
0x7a: {  	_ =	shalt  }
0x7b: {  	_ =	shalt  }
0x7c: {  	_ =	shalt  }
0x7d: {  	_ =	shalt  }
0x7e: {  	_ =	shalt  }
0x7f: {  	_ =	shalt  }
0x80: {  	_ =	shalt  }
0x81: {  	_ =	shalt  }
0x82: {  	_ =	shalt  }
0x83: {  	_ =	shalt  }
0x84: {  	_ =	shalt  }
0x85: {  	_ =	shalt  }
0x86: {  	_ =	shalt  }
0x87: {  	_ =	shalt  }
.Lfunc_end0:
.L_simem_size_0:
called_computation.2_lowered:
.L_overlay_start_0:
0x88: {  	s2 =	sld [smem:$0x3FD9]  }
0x89: {  	s3 =	sld [smem:$0x3FFE];
	_ =	sdelay $0x1  }
0x8a: {  	s1 =	srdreg.scid  }
0x8b: {  	s0 =	sand.u32 $0x1, s1  }
0x8c: {  	s14 =	sshll.u32 s0, $0xA;
	s2 =	sadd.s32 s3, s2  }
0x8d: {  	s2 =	sadd.s32 s2, s14  }
0x8e: {  	[smem:$0x3FC5] =	sst s2  }
0x8f: {  	_ = 	snop  }
0x90: {  	s2 =	sld [smem:$0x3FD0];
	_ =	sdelay $0x1  }
0x91: {  	s15 =	sld [smem:$0x3FC8]  }
0x92: {  	s5 =	simm.s32 $0xB;
	s6 =	simm.s32 $0x10;
	s4 =	sld [smem:$0x3FC7]  }
0x93: {  	[smem:s6], [sflag:s5] =	dma.local [hbm:s2], $0x1  }
0x94: {  	_ =	swait.eq [sflag:s5], $0x1  }
0x95: {  	[sflag:s5] =	ssyncset.done $0x0  }
0x96: {  	s16 =	sld [smem:$0x10];
	[sflag:s5] =	ssyncadd.s32 $0xFFFFFFFF  }
0x97: {  	s17 =	sld [smem:$0x11];
	(tm) =	ssettm $0x1  }
0x98: {  	s18 =	sld [smem:$0x3FFB];
	_ =	sdelay $0x3  }
0x99: {  	_ =	strace s18  }
0x9a: {  	s6 =	sld [smem:$0x3FFC];
	_ =	sdelay $0x3  }
0x9b: {  	_ =	strace s6  }
0x9c: {  	s6 =	sld [smem:$0x3FFD];
	_ =	sdelay $0x3  }
0x9d: {  	_ =	strace s6  }
0x9e: {  	_ =	strace $0x8FFFFFFF  }
0x9f: {  	s19 =	sld [smem:$0x3FDB];
	_ =	sdelay $0x1  }
0xa0: {  	s7 =	simm.s32 $_scs_section_size  }
0xa1: {  	s8 =	simm.s32 $_size__tile_overlayer_lowered;
	s9 =	simm.s32 $_tile_overlayer_lowered  }
0xa2: {  	s22 =	simm.s32 $0x1BFF;
	s21 =	sshll.u32 s9, $0x1;
	s6 =	sadd.s32 s7, s19  }
0xa3: {  	s10 =	simm.s32 $0x0;
	s20 =	sshll.u32 s8, $0x1;
	s8 =	sadd.s32 s21, s6  }
0xa4: {  	[timem:s10], [sflag:s22] =	dma.local [hbm:s8], s20  }
0xa5: {  	_ =	swait.ge [sflag:s22], s20  }
0xa6: {  	s7 =	ssub.s32 $0x0, s20;
	[sflag:s22] =	ssyncset.done $0x0  }
0xa7: {  	[sflag:s22] =	ssyncadd.s32 s7;
	_ =	sdelay $0x1  }
0xa8: {  	s23 =	simm.s32 $0x1B8B  }
0xa9: {  	_ =	swait.ge [sflag:s23], $0x1  }
0xaa: {  	[sflag:s23] =	ssyncset.done $0x0  }
0xab: {  	s25 =	simm.s32 $0x1B8E;
	s24 =	sld [smem:$0x3FFE];
	[sflag:s23] =	ssyncadd.s32 $0xFFFFFFFF  }
0xac: {  	s26 =	simm.s32 $execute0_lowered;
	[smem:$0x3FD2] =	sst s25  }
0xad: {  	s8 =	sshll.u32 s26, $0x1;
	_ =	strace $0x80000046;
	[dreg:$0x1] =	wrdreg $0xFFFFFFFF  }
0xae: {  	s28 =	simm.s32 $_size_execute0_lowered;
	s6 =	sadd.s32 s6, s8;
	[dreg:$0x0] =	wrdreg $0x0  }
0xaf: {  	s8 =	sshll.u32 s28, $0x1;
	[dreg:$0x2] =	wrdreg s6  }
0xb0: {  	[dreg:$0x3] =	wrdreg s8  }
0xb1: {  	[dreg:$0x4] =	wrdreg $0xC0  }
0xb2: {  	_ =	task [dreg:s10], $0x5FFFF  }
0xb3: {  	[dreg:$0x1] =	wrdreg $0xFFFFFFFF  }
0xb4: {  	[dreg:$0x0] =	wrdreg $0x60  }
0xb5: {  	[dreg:$0x2] =	wrdreg s24  }
0xb6: {  	[dreg:$0x3] =	wrdreg s15  }
0xb7: {  	[dreg:$0x4] =	wrdreg s4  }
0xb8: {  	[dreg:$0x5] =	wrdreg s16  }
0xb9: {  	[dreg:$0x6] =	wrdreg s17  }
0xba: {  	[dreg:$0x7] =	wrdreg $0x0  }
0xbb: {  	[dreg:$0x8] =	wrdreg $0x9  }
0xbc: {  	_ =	task.clear_ibuf [dreg:s10], $0x9FFFF;
	_ =	strace $0x90000046  }
0xbd: {  	s29 =	simm.s32 $0x9;
	_ =	strace $0x80000048  }
0xbe: {  	_ =	swait.ge [sflag:s29], $0x1  }
0xbf: {  	[sflag:s29] =	ssyncadd.s32 $0xFFFFFFFF  }
0xc0: {  	_ =	strace $0x90000048  }
0xc1: {  	_ =	sfence  }
0xc2: {  	s30 =	sld [smem:$0x0];
	_ =	sdelay $0x2  }
0xc3: {  	s31 =	sshll.u32 s1, $0xD;
	s1 =	sshrl.u32 s1, $0x2  }
0xc4: {  	s3 =	sand.u32 $0x4000, s31;
	s1 =	sadd.s32 s1, s30  }
0xc5: {  	s0 =	sor.u32 s3, s0;
	s1 =	sshll.u32 s1, $0x11  }
0xc6: {  	s0 =	sor.u32 s1, s0  }
0xc7: {  	s0 =	sadd.s32 $0x8F2B, s0  }
0xc8: {  	[sflag:s0] =	ssyncadd.remote.s32 $0x1  }
0xc9: {  	_ =	sfence.sel $0xFFFF  }
0xca: {  	[dreg:$0x0] =	wrdreg $0xFFFFFFFF;
	(pc) =	sbr.abs _section_cstart, $3  }
0xcb: {  	[dreg:$0x1] =	wrdreg $0xFFFFFFFF  }
0xcc: {  	_ =	task.clear_ibuf [dreg:s10], $0x2FFFF;
	_ =	strace $0x9FFFFFFF  }
0xcd: {  	(tm) =	ssettm $0x7FFFFFFF  }
tec
execute0_lowered:
.L_overlay_start_1:
0x0: {  	(tag) =	ssettag $0x1  }
0x1: {  	s0 =	rddreg [dreg:$0x0]  }
0x2: {  	s1 =	rddreg [dreg:$0x1]  }
0x3: {  	s4 =	rddreg [dreg:$0x2]  }
0x4: {  	s5 =	rddreg [dreg:$0x3]  }
0x5: {  	s6 =	rddreg [dreg:$0x4]  }
0x6: {  	s2 =	rddreg [dreg:$0x5];
	s11 =	stileid.u32  }
0x7: {  	s8 =	srdreg.scid;
	s3 =	simm.s32 $0x0;
	s14 =	simm.s32 $0x18800  }
0x8: {  	s15 =	simm.s32 $0x18A00;
	s16 =	simm.s32 $0x1;
	s17 =	simm.s32 $0x80  }
0x9: {  	s26 =	simm.s32 $0x18880;
	s28 =	simm.s32 $0x18980;
	s29 =	simm.s32 $0x1A400  }
0xa: {  	s30 =	simm.s32 $0x18B80;
	s31 =	simm.s32 $0x1C400;
	s7 =	smul.u32 $0x18800, s11  }
0xb: {  	s8 =	sand.u32 $0x1, s8;
	[smem:$0x7FF] =	sst s3;
	p0 =	slt.u32 s11, $0xA  }
0xc: {  	s19 =	sshll.u32 s11, $0x6;
	s21 =	sshll.u32 s11, $0xB;
	s23 =	sshll.u32 s11, $0x7  }
0xd: {  	s10 =	ssub.s32 $0x2, s8;
	_ =	strace $0x80000047;
	s20 =	sor.u32 $0x1C04, s19  }
0xe: {  	s6 =	sadd.s32 s21, s6;
	s22 =	sshll.u32 s8, $0xA;
	s24 =	sadd.s32 s23, s4  }
0xf: {  	s8 =	sshll.u32 s8, $0x6;
	s1 =	sadd.s32 s23, s1;
	s19 =	simm.s32 $0x1AC00  }
0x10: {  	[dreg:$0x7] =	wrdreg s26;
	s23 =	simm.s32 $0x18900;
	s26 =	simm.s32 $0x1BC00  }
0x11: {  	s9 =	sshrl.u32 s7, $0x3;
	s18 =	sshrl.u32 s10, $0x1;
	s7 =	sadd.s32 s7, s2  }
0x12: {  	[dreg:$0xa] =	wrdreg s20;
	s6 =	sadd.s32 s22, s6;
	s11 =	sadd.s32 s8, s1  }
0x13: {  	s20 =	simm.s32 $0x19400;
	s0 =	sadd.s32 s9, s0;
	s9 =	ssub.s32 s10, s18  }
0x14: {  	s10 =	simm.s32 $0x187;
	[dreg:$0xc] =	wrdreg s6;
	s25 =	sshrl.u32 s7, $0x3  }
0x15: {  	s1 =	simm.s32 $0x2;
	s10 =	simm.s32 @!p0 $0x186;
	[dreg:$0xd] =	wrdreg s25  }
0x16: {  	s18 =	simm.s32 $0x18C00;
	s0 =	sadd.s32 $0x1000, s0;
	[dreg:$0x8] =	wrdreg s10  }
0x17: {  	s9 =	smax.u32 s9, $0x1;
	s25 =	simm.s32 $0x18B00;
	[dreg:$0x9] =	wrdreg s0  }
0x18: {  	[dreg:$0xb] =	wrdreg s9;
	s0 =	sadd.s32 s21, s5;
	s10 =	sadd.s32 s8, s24  }
0x19: {  	s21 =	simm.s32 $0x18A80;
	s24 =	simm.s32 $0x19C00;
	s5 =	simm.s32 $0x0  }
0x1a: {  	s4 =	sadd.s32 s22, s0;
	s22 =	simm.s32 $0x1B400;
	s0 =	simm.s32 $0x3  }
.LBB2_1:
0x1b: {  	s6 =	rddreg [dreg:$0x9]  }
0x1c: {  	s7 =	rddreg [dreg:$0xa]  }
0x1d: {  	s8 =	rddreg [dreg:$0xd];
	s9 =	simm.s32 $0x4  }
0x1e: {  	[spmem:s8], [sflag:s7] =	dma.local [hbm:s6], $0x3100  }
0x1f: {  	_ =	swait.ge [sflag:s9], $0x3100  }
0x20: {  	[sflag:s9] =	ssyncset.done $0x0  }
0x21: {  	[sflag:s9] =	ssyncadd.s32 $0xFFFFCF00  }
0x22: {  	[bflag:$0x0] =	sbarrier.arrive $0xFFFF  }
0x23: {  	[tilespmem:s14], [sflag:$0x1] =	stream.linear.gather [hbm4b:s11+s3], $0x200, $0x38;
	[tilespmem:$0x1CC00] =	vst v63  }
0x24: {  	_ = 	snop  }
0x25: {  	[tilespmem:s15], [sflag:$0x1] =	stream.linear.gather [hbm4b:s10+s3], $0x200, $0x38;
	[tilespmem:$0x1CC00] =	vst v63  }
0x26: {  	_ =	swait.ge [sflag:s16], $0x200  }
0x27: {  	[sflag:s16] =	ssyncset.done $0x0  }
0x28: {  	[sflag:s16] =	ssyncadd.s32 $0xFFFFFE00  }
0x29: {  	_ =	swait.ge [sflag:s16], $0x200  }
0x2a: {  	[sflag:s16] =	ssyncset.done $0x0  }
0x2b: {  	[sflag:s16] =	ssyncadd.s32 $0xFFFFFE00  }
0x2c: {  	[tilespmem:s18], [sflag:$0x2] =	stream.indirect.gather [spmem:s2], $0x10, s14, s17, $0xb8;
	[tilespmem:$0x1CC00] =	vst v63  }
0x2d: {  	_ = 	snop  }
0x2e: {  	[tilespmem:s19], [sflag:$0x2] =	stream.indirect.gather [spmem:s2], $0x10, s15, s17, $0xb8;
	[tilespmem:$0x1CC00] =	vst v63  }
0x2f: {  	s12 =	rddreg [dreg:$0x7]  }
0x30: {  	[tilespmem:s20], [sflag:$0x2] =	stream.indirect.gather [spmem:s2], $0x10, s12, s17, $0xb8;
	[tilespmem:$0x1CC00] =	vst v63  }
0x31: {  	_ = 	snop  }
0x32: {  	[tilespmem:s22], [sflag:$0x2] =	stream.indirect.gather [spmem:s2], $0x10, s21, s17, $0xb8;
	[tilespmem:$0x1CC00] =	vst v63  }
0x33: {  	_ = 	snop  }
0x34: {  	[tilespmem:s24], [sflag:$0x2] =	stream.indirect.gather [spmem:s2], $0x10, s23, s17, $0xb8;
	[tilespmem:$0x1CC00] =	vst v63  }
0x35: {  	_ = 	snop  }
0x36: {  	[tilespmem:s26], [sflag:$0x2] =	stream.indirect.gather [spmem:s2], $0x10, s25, s17, $0xb8;
	[tilespmem:$0x1CC00] =	vst v63  }
0x37: {  	_ = 	snop  }
0x38: {  	[tilespmem:s29], [sflag:$0x2] =	stream.indirect.gather [spmem:s2], $0x10, s28, s17, $0xb8;
	[tilespmem:$0x1CC00] =	vst v63  }
0x39: {  	_ = 	snop  }
0x3a: {  	[tilespmem:s31], [sflag:$0x2] =	stream.indirect.gather [spmem:s2], $0x10, s30, s17, $0xb8;
	[tilespmem:$0x1CC00] =	vst v63  }
0x3b: {  	_ =	swait.ge [sflag:s1], $0x800  }
0x3c: {  	[sflag:s1] =	ssyncset.done $0x0  }
0x3d: {  	[sflag:s1] =	ssyncadd.s32 $0xFFFFF800  }
0x3e: {  	_ =	swait.ge [sflag:s1], $0x800  }
0x3f: {  	[sflag:s1] =	ssyncset.done $0x0  }
0x40: {  	[sflag:s1] =	ssyncadd.s32 $0xFFFFF800  }
0x41: {  	_ =	swait.ge [sflag:s1], $0x800  }
0x42: {  	[sflag:s1] =	ssyncset.done $0x0  }
0x43: {  	[sflag:s1] =	ssyncadd.s32 $0xFFFFF800  }
0x44: {  	_ =	swait.ge [sflag:s1], $0x800  }
0x45: {  	[sflag:s1] =	ssyncset.done $0x0  }
0x46: {  	[sflag:s1] =	ssyncadd.s32 $0xFFFFF800  }
0x47: {  	_ =	swait.ge [sflag:s1], $0x800  }
0x48: {  	[sflag:s1] =	ssyncset.done $0x0  }
0x49: {  	[sflag:s1] =	ssyncadd.s32 $0xFFFFF800  }
0x4a: {  	_ =	swait.ge [sflag:s1], $0x800  }
0x4b: {  	[sflag:s1] =	ssyncset.done $0x0  }
0x4c: {  	[sflag:s1] =	ssyncadd.s32 $0xFFFFF800  }
0x4d: {  	_ =	swait.ge [sflag:s1], $0x800  }
0x4e: {  	[sflag:s1] =	ssyncset.done $0x0  }
0x4f: {  	[sflag:s1] =	ssyncadd.s32 $0xFFFFF800  }
0x50: {  	_ =	swait.ge [sflag:s1], $0x800  }
0x51: {  	[sflag:s1] =	ssyncset.done $0x0  }
0x52: {  	[sflag:s1] =	ssyncadd.s32 $0xFFFFF800  }
0x53: {  	[hbm4b:s4+s3] =	stream.linear.scatter [tilespmem:s18], [sflag:$0x3], $0x2000, $0x38;
	[tilespmem:$0x1CC00] =	vst v63  }
0x54: {  	s8 =	rddreg [dreg:$0xc]  }
0x55: {  	[hbm4b:s8+s3] =	stream.linear.scatter [tilespmem:s19], [sflag:$0x3], $0x2000, $0x38;
	[tilespmem:$0x1CC00] =	vst v63  }
0x56: {  	_ =	swait.ge [sflag:s0], $0x2000  }
0x57: {  	s13 =	rddreg [dreg:$0x8]  }
0x58: {  	p0 =	sne.s32 s13, $0x1  }
.Ltmp0:
0x59: {  	_ = 	snop;
	(pc) =	sbr.rel @!p0 .LBB2_3-.Ltmp0, $4  }
0x5a: {  	[sflag:s0] =	ssyncset.done $0x0  }
0x5b: {  	[sflag:s0] =	ssyncadd.s32 $0xFFFFE000  }
0x5c: {  	s7 =	sadd.s32 $0x800, s10;
	s9 =	smov.u32 s4;
	_ =	swait.ge [sflag:s0], $0x2000  }
0x5d: {  	s12 =	sadd.s32 $0x800, s11;
	s6 =	sadd.s32 $0xFFFFFFFF, s13;
	[sflag:s0] =	ssyncset.done $0x0  }
.LBB2_2:
0x5e: {  	[sflag:s0] =	ssyncadd.s32 $0xFFFFE000  }
0x5f: {  	[tilespmem:s14], [sflag:$0x1] =	stream.linear.gather [hbm4b:s12+s3], $0x200, $0x38;
	[tilespmem:$0x1CC00] =	vst v63  }
0x60: {  	_ = 	snop  }
0x61: {  	[tilespmem:s15], [sflag:$0x1] =	stream.linear.gather [hbm4b:s7+s3], $0x200, $0x38;
	[tilespmem:$0x1CC00] =	vst v63  }
0x62: {  	_ =	swait.ge [sflag:s16], $0x200  }
0x63: {  	[sflag:s16] =	ssyncset.done $0x0  }
0x64: {  	[sflag:s16] =	ssyncadd.s32 $0xFFFFFE00  }
0x65: {  	_ =	swait.ge [sflag:s16], $0x200  }
0x66: {  	[sflag:s16] =	ssyncset.done $0x0  }
0x67: {  	[sflag:s16] =	ssyncadd.s32 $0xFFFFFE00  }
0x68: {  	[tilespmem:s18], [sflag:$0x2] =	stream.indirect.gather [spmem:s2], $0x10, s14, s17, $0xb8;
	[tilespmem:$0x1CC00] =	vst v63  }
0x69: {  	_ = 	snop  }
0x6a: {  	[tilespmem:s19], [sflag:$0x2] =	stream.indirect.gather [spmem:s2], $0x10, s15, s17, $0xb8;
	[tilespmem:$0x1CC00] =	vst v63  }
0x6b: {  	s13 =	rddreg [dreg:$0x7]  }
0x6c: {  	[tilespmem:s20], [sflag:$0x2] =	stream.indirect.gather [spmem:s2], $0x10, s13, s17, $0xb8;
	[tilespmem:$0x1CC00] =	vst v63  }
0x6d: {  	_ = 	snop  }
0x6e: {  	[tilespmem:s22], [sflag:$0x2] =	stream.indirect.gather [spmem:s2], $0x10, s21, s17, $0xb8;
	[tilespmem:$0x1CC00] =	vst v63  }
0x6f: {  	_ = 	snop  }
0x70: {  	[tilespmem:s24], [sflag:$0x2] =	stream.indirect.gather [spmem:s2], $0x10, s23, s17, $0xb8;
	[tilespmem:$0x1CC00] =	vst v63  }
0x71: {  	_ = 	snop  }
0x72: {  	[tilespmem:s26], [sflag:$0x2] =	stream.indirect.gather [spmem:s2], $0x10, s25, s17, $0xb8;
	[tilespmem:$0x1CC00] =	vst v63  }
0x73: {  	_ = 	snop  }
0x74: {  	[tilespmem:s29], [sflag:$0x2] =	stream.indirect.gather [spmem:s2], $0x10, s28, s17, $0xb8;
	[tilespmem:$0x1CC00] =	vst v63  }
0x75: {  	_ = 	snop  }
0x76: {  	[tilespmem:s31], [sflag:$0x2] =	stream.indirect.gather [spmem:s2], $0x10, s30, s17, $0xb8;
	[tilespmem:$0x1CC00] =	vst v63  }
0x77: {  	_ =	swait.ge [sflag:s1], $0x800  }
0x78: {  	[sflag:s1] =	ssyncset.done $0x0  }
0x79: {  	[sflag:s1] =	ssyncadd.s32 $0xFFFFF800  }
0x7a: {  	_ =	swait.ge [sflag:s1], $0x800  }
0x7b: {  	[sflag:s1] =	ssyncset.done $0x0  }
0x7c: {  	[sflag:s1] =	ssyncadd.s32 $0xFFFFF800  }
0x7d: {  	_ =	swait.ge [sflag:s1], $0x800  }
0x7e: {  	[sflag:s1] =	ssyncset.done $0x0  }
0x7f: {  	[sflag:s1] =	ssyncadd.s32 $0xFFFFF800  }
0x80: {  	_ =	swait.ge [sflag:s1], $0x800  }
0x81: {  	[sflag:s1] =	ssyncset.done $0x0  }
0x82: {  	[sflag:s1] =	ssyncadd.s32 $0xFFFFF800  }
0x83: {  	_ =	swait.ge [sflag:s1], $0x800  }
0x84: {  	[sflag:s1] =	ssyncset.done $0x0  }
0x85: {  	[sflag:s1] =	ssyncadd.s32 $0xFFFFF800  }
0x86: {  	_ =	swait.ge [sflag:s1], $0x800  }
0x87: {  	[sflag:s1] =	ssyncset.done $0x0  }
0x88: {  	[sflag:s1] =	ssyncadd.s32 $0xFFFFF800  }
0x89: {  	_ =	swait.ge [sflag:s1], $0x800  }
0x8a: {  	[sflag:s1] =	ssyncset.done $0x0  }
0x8b: {  	[sflag:s1] =	ssyncadd.s32 $0xFFFFF800  }
0x8c: {  	_ =	swait.ge [sflag:s1], $0x800  }
0x8d: {  	[sflag:s1] =	ssyncset.done $0x0  }
0x8e: {  	s9 =	sadd.s32 $0x8000, s9;
	[sflag:s1] =	ssyncadd.s32 $0xFFFFF800  }
0x8f: {  	[hbm4b:s9+s3] =	stream.linear.scatter [tilespmem:s18], [sflag:$0x3], $0x2000, $0x38;
	[tilespmem:$0x1CC00] =	vst v63  }
0x90: {  	s8 =	sadd.s32 $0x8000, s8;
	p0 =	sne.s32 s6, $0x1  }
0x91: {  	[hbm4b:s8+s3] =	stream.linear.scatter [tilespmem:s19], [sflag:$0x3], $0x2000, $0x38;
	[tilespmem:$0x1CC00] =	vst v63  }
.Ltmp1:
0x92: {  	_ =	swait.ge [sflag:s0], $0x2000;
	(pc) =	sbr.rel @p0 .LBB2_2-.Ltmp1, $4  }
0x93: {  	[sflag:s0] =	ssyncset.done $0x0  }
0x94: {  	[sflag:s0] =	ssyncadd.s32 $0xFFFFE000  }
0x95: {  	s6 =	sadd.s32 $0xFFFFFFFF, s6;
	_ =	swait.ge [sflag:s0], $0x2000  }
0x96: {  	s12 =	sadd.s32 $0x800, s12;
	s7 =	sadd.s32 $0x800, s7;
	[sflag:s0] =	ssyncset.done $0x0  }
.LBB2_3:
0x97: {  	s5 =	sadd.s32 $0x1, s5;
	s6 =	rddreg [dreg:$0xb]  }
0x98: {  	p0 =	sne.s32 s5, s6  }
.Ltmp2:
0x99: {  	_ = 	snop;
	(pc) =	sbr.rel @p0 .LBB2_1-.Ltmp2, $2  }
0x9a: {  	_ =	sdelay $0x2  }
0x9b: {  	[sflag:s0] =	ssyncadd.s32 $0xFFFFE000  }
0x9c: {  	_ =	sfence.sel $0x180000  }
0x9d: {  	[bflag:$0x0] =	sbarrier.arrive $0xFFFF  }
0x9e: {  	_ =	strace $0x90000047  }
0x9f: {  	s0 =	stileid.u32;
	[bflag:$0x2] =	sbarrier.arrive $0xFFFF  }
0xa0: {  	p0 =	sne.s32 s0, $0x0;
	s0 =	rddreg [dreg:$0x6]  }
0xa1: {  	s0 =	sadd.s32 @!p0 $0x100000, s0  }
0xa2: {  	[sflag:s0] =	ssyncadd.tile.s32 @!p0 $0x1;
	_ =	shalt  }
.Lfunc_end2:
_tile_overlayer_lowered:
.L_overlay_start_2:
0xa3: {  	(tag) =	ssettag $0x2  }
0xa4: {  	s0 =	rddreg [dreg:$0x0];
	s2 =	stileid.u32  }
0xa5: {  	s1 =	rddreg [dreg:$0x1];
	p0 =	sne.s32 s2, $0x0  }
0xa6: {  	s3 =	rddreg [dreg:$0x2];
	[bflag:$0x3] =	sbarrier.arrive $0xFFFF;
	s2 =	simm.s32 @!p0 $0x1C04  }
0xa7: {  	[timem:s3], [sflag:s2] =	dma.local @!p0 [hbm:s0], s1  }
0xa8: {  	s0 =	simm.s32 @!p0 $0x4  }
0xa9: {  	_ =	swait.ge @!p0 [sflag:s0], s1  }
0xaa: {  	s1 =	ssub.s32 @!p0 $0x0, s1;
	[sflag:s0] =	ssyncset.done @!p0 $0x0  }
0xab: {  	[sflag:s0] =	ssyncadd.s32 @!p0 s1  }
0xac: {  	[bflag:$0x3] =	sbarrier.arrive $0xFFFF  }
0xad: {  	_ =	shalt  }

// kernel: sparse-core-data-format-call.1.cloned.1.call-start
scs
called_computation.1_lowered:
.L_overlay_start_0:
0x0: {  	s2 =	sld [smem:$0x3FD9]  }
0x1: {  	s3 =	sld [smem:$0x3FFE];
	_ =	sdelay $0x1  }
0x2: {  	s1 =	srdreg.scid  }
0x3: {  	s0 =	sand.u32 $0x1, s1  }
0x4: {  	s16 =	sshll.u32 s0, $0xA;
	s2 =	sadd.s32 s3, s2  }
0x5: {  	s2 =	sadd.s32 s2, s16  }
0x6: {  	[smem:$0x3FC5] =	sst s2  }
0x7: {  	_ = 	snop  }
0x8: {  	s2 =	sld [smem:$0x3FD0];
	_ =	sdelay $0x2  }
0x9: {  	s17 =	simm.s32 $0xB;
	s4 =	simm.s32 $0x10  }
0xa: {  	[smem:s4], [sflag:s17] =	dma.local [hbm:s2], $0x1  }
0xb: {  	_ =	swait.eq [sflag:s17], $0x1  }
0xc: {  	[sflag:s17] =	ssyncset.done $0x0  }
0xd: {  	[sflag:s17] =	ssyncadd.s32 $0xFFFFFFFF  }
0xe: {  	s18 =	sld [smem:$0x10];
	(tm) =	ssettm $0x1  }
0xf: {  	s19 =	sld [smem:$0x3FFB];
	_ =	sdelay $0x3  }
0x10: {  	_ =	strace s19  }
0x11: {  	s2 =	sld [smem:$0x3FFC];
	_ =	sdelay $0x3  }
0x12: {  	_ =	strace s2  }
0x13: {  	s2 =	sld [smem:$0x3FFD];
	_ =	sdelay $0x3  }
0x14: {  	_ =	strace s2  }
0x15: {  	_ =	strace $0x8FFFFFFF  }
0x16: {  	s20 =	sld [smem:$0x3FDB];
	_ =	sdelay $0x1  }
0x17: {  	s21 =	simm.s32 $_scs_section_size  }
0x18: {  	s5 =	simm.s32 $_size__tile_overlayer_lowered;
	s6 =	simm.s32 $_tile_overlayer_lowered  }
0x19: {  	s7 =	simm.s32 $0x1BFF;
	s22 =	sshll.u32 s6, $0x1;
	s4 =	sadd.s32 s21, s20  }
0x1a: {  	s23 =	simm.s32 $0x0;
	s5 =	sshll.u32 s5, $0x1;
	s6 =	sadd.s32 s22, s4  }
0x1b: {  	[timem:s23], [sflag:s7] =	dma.local [hbm:s6], s5  }
0x1c: {  	_ =	swait.ge [sflag:s7], s5  }
0x1d: {  	s5 =	ssub.s32 $0x0, s5;
	[sflag:s7] =	ssyncset.done $0x0  }
0x1e: {  	[sflag:s7] =	ssyncadd.s32 s5;
	_ =	sdelay $0x1  }
0x1f: {  	s24 =	simm.s32 $0x1B8B  }
0x20: {  	_ =	swait.ge [sflag:s24], $0x1  }
0x21: {  	[sflag:s24] =	ssyncset.done $0x0  }
0x22: {  	[sflag:s24] =	ssyncadd.s32 $0xFFFFFFFF  }
0x23: {  	s5 =	sld [smem:$0x0]  }
0x24: {  	s6 =	sand.u32 $0xFFFFFFFE, s1  }
0x25: {  	p0 =	sne.s32 s1, s6  }
0x26: {  	s6 =	sshll.u32 @p0 s6, $0xE  }
0x27: {  	s6 =	sadd.s32 @p0 $0x11B8D, s6;
	s7 =	sshll.u32 @p0 s5, $0x11  }
0x28: {  	s6 =	sor.u32 @p0 s7, s6  }
0x29: {  	[sflag:s6] =	ssyncadd.remote.s32 @p0 $0x1;
	_ =	sdelay $0x1  }
0x2a: {  	s6 =	simm.s32 @p0 $0x1B8D  }
0x2b: {  	_ =	swait.eq @p0 [sflag:s6], $0x1  }
0x2c: {  	[sflag:s6] =	ssyncadd.s32 @p0 $0xFFFFFFFF  }
0x2d: {  	s7 =	sshll.u32 @!p0 s1, $0xE  }
0x2e: {  	s7 =	sor.u32 @!p0 $0x4000, s7;
	s6 =	simm.s32 @!p0 $0x1B8D  }
0x2f: {  	s5 =	sshll.u32 @!p0 s5, $0x11;
	s7 =	sadd.s32 @!p0 $0x11B8D, s7;
	_ =	swait.eq @!p0 [sflag:s6], $0x1  }
0x30: {  	s5 =	sor.u32 @!p0 s5, s7;
	[sflag:s6] =	ssyncadd.s32 @!p0 $0xFFFFFFFF  }
0x31: {  	s26 =	simm.s32 $0x1B8E;
	s25 =	sld [smem:$0x3FFE];
	[sflag:s5] =	ssyncadd.remote.s32 @!p0 $0x1  }
0x32: {  	s27 =	simm.s32 $execute0_lowered;
	[smem:$0x3FD2] =	sst s26  }
0x33: {  	s6 =	sshll.u32 s27, $0x1;
	_ =	strace $0x8000004C;
	[dreg:$0x1] =	wrdreg $0xFFFFFFFF  }
0x34: {  	s28 =	simm.s32 $_size_execute0_lowered;
	s4 =	sadd.s32 s4, s6;
	[dreg:$0x0] =	wrdreg $0x0  }
0x35: {  	s6 =	sshll.u32 s28, $0x1;
	[dreg:$0x2] =	wrdreg s4  }
0x36: {  	[dreg:$0x3] =	wrdreg s6  }
0x37: {  	[dreg:$0x4] =	wrdreg $0xC0  }
0x38: {  	_ =	task [dreg:s23], $0x5FFFF  }
0x39: {  	[dreg:$0x1] =	wrdreg $0xFFFFFFFF  }
0x3a: {  	[dreg:$0x0] =	wrdreg $0x60  }
0x3b: {  	[dreg:$0x2] =	wrdreg s25  }
0x3c: {  	[dreg:$0x3] =	wrdreg s18  }
0x3d: {  	[dreg:$0x4] =	wrdreg $0xA  }
0x3e: {  	_ =	task.clear_ibuf [dreg:s23], $0x5FFFF;
	_ =	strace $0x9000004C  }
0x3f: {  	s29 =	simm.s32 $0xA;
	_ =	strace $0x8000004E  }
0x40: {  	_ =	swait.ge [sflag:s29], $0x1  }
0x41: {  	[sflag:s29] =	ssyncadd.s32 $0xFFFFFFFF  }
0x42: {  	_ =	strace $0x9000004E  }
0x43: {  	_ =	sfence  }
0x44: {  	s30 =	sld [smem:$0x0];
	_ =	sdelay $0x2  }
0x45: {  	s31 =	sshll.u32 s1, $0xD;
	s1 =	sshrl.u32 s1, $0x2  }
0x46: {  	s4 =	sand.u32 $0x4000, s31;
	s1 =	sadd.s32 s1, s30  }
0x47: {  	s0 =	sor.u32 s4, s0;
	s1 =	sshll.u32 s1, $0x11  }
0x48: {  	s0 =	sor.u32 s1, s0  }
0x49: {  	s0 =	sadd.s32 $0x8F2B, s0  }
0x4a: {  	[sflag:s0] =	ssyncadd.remote.s32 $0x1  }
0x4b: {  	_ =	sfence.sel $0xFFFF  }
0x4c: {  	[dreg:$0x0] =	wrdreg $0xFFFFFFFF;
	(pc) =	sbr.abs _section_cstart, $3  }
0x4d: {  	[dreg:$0x1] =	wrdreg $0xFFFFFFFF  }
0x4e: {  	_ =	task.clear_ibuf [dreg:s23], $0x2FFFF;
	_ =	strace $0x9FFFFFFF  }
0x4f: {  	(tm) =	ssettm $0x7FFFFFFF  }
tec
execute0_lowered:
.L_overlay_start_1:
0x0: {  	(tag) =	ssettag $0x1  }
0x1: {  	s0 =	srdreg.scid  }
0x2: {  	s1 =	sshll.u32 s0, $0x4  }
0x3: {  	s4 =	rddreg [dreg:$0x0];
	s0 =	stileid.u32;
	s1 =	sand.u32 $0x10, s1  }
0x4: {  	s2 =	rddreg [dreg:$0x1];
	s7 =	simm.s32 $0x1;
	s1 =	sor.u32 s0, s1  }
0x5: {  	s8 =	simm.s32 $0x2;
	s11 =	simm.s32 $0x0;
	s3 =	sshll.u32 s1, $0x7  }
0x6: {  	s10 =	simm.s32 $0x0;
	s4 =	sadd.s32 $0x61A9000, s4;
	s6 =	ssub.s32 $0x61A800, s3  }
.Ltmp0:
0x7: {  	s1 =	rddreg [dreg:$0x2];
	s5 =	sand.u32 $0xF80, s6;
	(pc) =	sbr.rel .LBB1_1-.Ltmp0, $4  }
0x8: {  	_ =	strace $0x8000004D;
	s9 =	smov.u32 s3;
	p0 =	sne.s32 s5, $0x0  }
0x9: {  	s6 =	sshrl.u32 s6, $0xC;
	s5 =	simm.s32 $0x1;
	s7 =	simm.s32 @!p0 $0x0  }
0xa: {  	[sflag:s5] =	ssyncpa.u1 $0x0;
	p0 =	por $0x0, $0x0;
	s6 =	sadd.s32 s7, s6  }
0xb: {  	[sflag:s8] =	ssyncpa.u1 $0x0;
	s8 =	simm.s32 $0x30D4000;
	s7 =	sadd.s32 $0x1, s6  }
.LBB1_4:
0xc: {  	s14 =	sshll.u32 s11, $0x3  }
0xd: {  	s15 =	sshrl.u32 s14, $0xB  }
0xe: {  	s15 =	smulhi.u32 $0x14F8B6, s15;
	_ =	sdelay $0x1  }
0xf: {  	s28 =	sand.u32 $0x7F, s11;
	s14 =	sand.u32 $0xFFFFFC00, s14;
	s16 =	smul.u32 $0x61A800, s15  }
0x10: {  	[tilespmem:s12+$0xFFFFFFFC ss:$0x81] =	vst.msk $0xffff, v1;
	s11 =	sor.u32 s28, s14;
	s29 =	sand.u32 $0xF, s15  }
0x11: {  	[tilespmem:s12+$0xFFFFFFFD ss:$0x81] =	vst.msk $0xffff, v2;
	s14 =	smul.u32 $0xC3500, s29;
	s11 =	ssub.s32 s11, s16  }
0x12: {  	[tilespmem:s12+$0xFFFFFFFE ss:$0x81] =	vst.msk $0xffff, v0;
	s30 =	sand.u32 $0x7, s11  }
0x13: {  	[tilespmem:s12+$0xFFFFFFFF ss:$0x81] =	vst.msk $0xffff, v4;
	s11 =	sshrl.u32 s11, $0x3;
	s14 =	sadd.s32 s2, s14;
	s15 =	sshll.u32 s30, $0x12  }
0x14: {  	[tilespmem:s12+$0xFFFFFFF9 ss:$0x81] =	vst.msk $0xffff, v3;
	s11 =	sadd.s32 s11, s14;
	s31 =	sor.u32 $0x400, s15  }
0x15: {  	[hbm4b:s11+s31] =	stream.strided.scatter [tilespmem:s13], [sflag:$0x2], $0x800, s8, s31, $0x20;
	[tilespmem:$0x2020] =	vst v63  }
.LBB1_5:
0x16: {  	s13 =	sadd.s32 $0x1000, s9  }
0x17: {  	p2 =	sgt.s32 s13, $0x61A7FF  }
0x18: {  	s13 =	smov.u32 @p2 s3;
	p2 =	sne.s32 s10, s7  }
.Ltmp1:
0x19: {  	p1 =	slt.u32 s10, $0x2;
	(pc) =	sbr.rel @!p2 .LBB1_6-.Ltmp1, $4  }
0x1a: {  	s12 =	simm.s32 @!p1 $0x2  }
0x1b: {  	s14 =	sadd.s32 $0x1, s10;
	_ =	swait.ge @!p1 [sflag:s12], $0x800  }
0x1c: {  	s11 =	smov.u32 s9;
	p0 =	por !p0, !p0;
	[sflag:s12] =	ssyncset.done @!p1 $0x0  }
0x1d: {  	s10 =	smov.u32 s14;
	s9 =	smov.u32 s13;
	[sflag:s12] =	ssyncadd.s32 @!p1 $0xFFFFF800  }
.LBB1_1:
0x1e: {  	p1 =	sge.u32 s10, s6  }
0x1f: {  	s12 =	sand.u32 @!p1 $0x1FFFFFF, s9  }
0x20: {  	s13 =	smulhi.u32 @!p1 $0x14F8B59, s12;
	_ =	sdelay $0x1  }
0x21: {  	s13 =	sshrl.u32 @!p1 s13, $0xF  }
0x22: {  	s13 =	smul.u32 @!p1 $0x61A800, s13;
	_ =	sdelay $0x1  }
0x23: {  	s31 =	sadd.s32 $0xFFFFFFFF, s10;
	s14 =	sxor.u32 @!p1 $0xFFFFFFFF, s10;
	s12 =	ssub.s32 @!p1 s12, s13  }
0x24: {  	s15 =	simm.s32 @!p1 $0x80;
	s14 =	sshll.u32 @!p1 s14, $0xB;
	s12 =	sshll.u32 @!p1 s12, $0x4  }
0x25: {  	s13 =	sand.u32 @!p1 $0x800, s14;
	s14 =	simm.s32 @!p1 $0x10;
	s12 =	sadd.s32 @!p1 s4, s12  }
0x26: {  	[tilespmem:s13], [sflag:$0x1] =	stream.strided.gather @!p1 [hbm4b:s12+s14], $0x800, s15, s14, $0x38;
	[tilespmem:$0x2020] =	vst v63  }
0x27: {  	p1 =	sge.u32 s31, s6  }
.Ltmp2:
0x28: {  	_ = 	snop;
	(pc) =	sbr.rel @p1 .LBB1_5-.Ltmp2, $1  }
0x29: {  	_ =	sdelay $0x3  }
0x2a: {  	s12 =	simm.s32 $0x1  }
0x2b: {  	_ =	swait.ge [sflag:s5], $0x800;
	s12 =	simm.s32 @!p0 $0x0  }
0x2c: {  	[sflag:s5] =	ssyncset.done $0x0;
	s13 =	sshll.u32 s12, $0xB  }
0x2d: {  	[sflag:s5] =	ssyncadd.s32 $0xFFFFF800;
	s15 =	sor.u32 $0x40, s13  }
0x2e: {  	v3 =	vld [tilespmem:s15+$0x30]  }
0x2f: {  	s12 =	smul.u32 $0x2040, s12;
	v4 =	vld [tilespmem:s15+$0xFFFFFFD0]  }
0x30: {  	v5 =	vld [tilespmem:s15+$0xFFFFFFE0]  }
0x31: {  	s31 =	sand.u32 $0x1, s10;
	s12 =	sshrl.u32 s12, $0x2;
	v1 =	vld [tilespmem:s15+$0xFFFFFFF0]  }
0x32: {  	s13 =	smul.u32 $0x2040, s31;
	v2 =	vld [tilespmem:s15+$0x0];
	s12 =	sor.u32 $0x1007, s12  }
0x33: {  	v0 =	vld [tilespmem:s15+$0x10];
	[tilespmem:s12+$0x0 ss:$0x81] =	vst.msk $0xffff, v3  }
0x34: {  	s13 =	sshrl.u32 s13, $0x2;
	[tilespmem:s12+$0xFFFFFFFA ss:$0x81] =	vst.msk $0xffff, v4;
	v4 =	vld [tilespmem:s15+$0x20]  }
0x35: {  	s14 =	simm.s32 $0x0;
	s13 =	sor.u32 $0x1000, s13;
	v3 =	vld [tilespmem:s15+$0xFFFFFFC0];
	[tilespmem:s12+$0xFFFFFFFB ss:$0x81] =	vst.msk $0xffff, v5;
	s15 =	sadd.s32 $0x80, s15  }
.LBB1_3:
0x36: {  	v5 =	vld [tilespmem:s15+$0x30];
	s14 =	sadd.s32 $0x8, s14;
	[tilespmem:s12+$0xFFFFFFFC ss:$0x81] =	vst.msk $0xffff, v1  }
0x37: {  	v6 =	vld [tilespmem:s15+$0xFFFFFFD0];
	p1 =	slt.u32 s14, $0x78;
	[tilespmem:s12+$0xFFFFFFFD ss:$0x81] =	vst.msk $0xffff, v2  }
0x38: {  	v7 =	vld [tilespmem:s15+$0xFFFFFFE0];
	[tilespmem:s12+$0xFFFFFFFE ss:$0x81] =	vst.msk $0xffff, v0  }
.Ltmp3:
0x39: {  	v1 =	vld [tilespmem:s15+$0xFFFFFFF0];
	[tilespmem:s12+$0xFFFFFFFF ss:$0x81] =	vst.msk $0xffff, v4;
	(pc) =	sbr.rel @p1 .LBB1_3-.Ltmp3, $4  }
0x3a: {  	v2 =	vld [tilespmem:s15+$0x0];
	[tilespmem:s12+$0xFFFFFFF9 ss:$0x81] =	vst.msk $0xffff, v3;
	s12 =	sadd.s32 $0x8, s12  }
0x3b: {  	v0 =	vld [tilespmem:s15+$0x10];
	[tilespmem:s12+$0x0 ss:$0x81] =	vst.msk $0xffff, v5  }
0x3c: {  	[tilespmem:s12+$0xFFFFFFFA ss:$0x81] =	vst.msk $0xffff, v6;
	v4 =	vld [tilespmem:s15+$0x20]  }
0x3d: {  	v3 =	vld [tilespmem:s15+$0xFFFFFFC0];
	[tilespmem:s12+$0xFFFFFFFB ss:$0x81] =	vst.msk $0xffff, v7;
	s15 =	sadd.s32 $0x80, s15  }
.Ltmp4:
0x3e: {  	_ = 	snop;
	(pc) =	sbr.rel .LBB1_4-.Ltmp4, $1  }
0x3f: {  	_ =	sdelay $0x3  }
.LBB1_6:
0x40: {  	_ =	sfence.sel $0x180000  }
0x41: {  	s2 =	simm.s32 $0x1;
	[bflag:$0x0] =	sbarrier.arrive $0xFFFF  }
0x42: {  	s31 =	simm.s32 $0x2;
	[sflag:s2] =	ssyncpa.u1 $0x1  }
0x43: {  	[sflag:s31] =	ssyncpa.u1 $0x1  }
0x44: {  	p0 =	sne.s32 s0, $0x0;
	_ =	strace $0x9000004D  }
0x45: {  	s0 =	sadd.s32 @!p0 $0x100000, s1;
	[bflag:$0x2] =	sbarrier.arrive $0xFFFF  }
0x46: {  	[sflag:s0] =	ssyncadd.tile.s32 @!p0 $0x1;
	_ =	shalt  }
.Lfunc_end1:
_tile_overlayer_lowered:
.L_overlay_start_2:
0x47: {  	(tag) =	ssettag $0x2  }
0x48: {  	s0 =	rddreg [dreg:$0x0];
	s2 =	stileid.u32  }
0x49: {  	s1 =	rddreg [dreg:$0x1];
	p0 =	sne.s32 s2, $0x0  }
0x4a: {  	s3 =	rddreg [dreg:$0x2];
	[bflag:$0x3] =	sbarrier.arrive $0xFFFF;
	s2 =	simm.s32 @!p0 $0x1C01  }
0x4b: {  	[timem:s3], [sflag:s2] =	dma.local @!p0 [hbm:s0], s1  }
0x4c: {  	s0 =	simm.s32 @!p0 $0x1  }
0x4d: {  	_ =	swait.ge @!p0 [sflag:s0], s1  }
0x4e: {  	s1 =	ssub.s32 @!p0 $0x0, s1;
	[sflag:s0] =	ssyncset.done @!p0 $0x0  }
0x4f: {  	[sflag:s0] =	ssyncadd.s32 @!p0 s1  }
0x50: {  	[bflag:$0x3] =	sbarrier.arrive $0xFFFF  }
0x51: {  	_ =	shalt  }

// kernel: sparse-core-data-format-call.cloned.1.call-start
scs
called_computation_lowered:
.L_overlay_start_0:
0x0: {  	s2 =	sld [smem:$0x3FD9]  }
0x1: {  	s3 =	sld [smem:$0x3FFE];
	_ =	sdelay $0x1  }
0x2: {  	s1 =	srdreg.scid  }
0x3: {  	s0 =	sand.u32 $0x1, s1  }
0x4: {  	s15 =	sshll.u32 s0, $0xA;
	s2 =	sadd.s32 s3, s2  }
0x5: {  	s2 =	sadd.s32 s2, s15  }
0x6: {  	[smem:$0x3FC5] =	sst s2  }
0x7: {  	_ = 	snop  }
0x8: {  	s2 =	sld [smem:$0x3FD0];
	_ =	sdelay $0x2  }
0x9: {  	s16 =	simm.s32 $0xB;
	s4 =	simm.s32 $0x10  }
0xa: {  	[smem:s4], [sflag:s16] =	dma.local [hbm:s2], $0x1  }
0xb: {  	_ =	swait.eq [sflag:s16], $0x1  }
0xc: {  	[sflag:s16] =	ssyncset.done $0x0  }
0xd: {  	[sflag:s16] =	ssyncadd.s32 $0xFFFFFFFF  }
0xe: {  	s17 =	sld [smem:$0x11];
	(tm) =	ssettm $0x1  }
0xf: {  	s18 =	sld [smem:$0x3FFB];
	_ =	sdelay $0x3  }
0x10: {  	_ =	strace s18  }
0x11: {  	s3 =	sld [smem:$0x3FFC];
	_ =	sdelay $0x3  }
0x12: {  	_ =	strace s3  }
0x13: {  	s3 =	sld [smem:$0x3FFD];
	_ =	sdelay $0x3  }
0x14: {  	_ =	strace s3  }
0x15: {  	_ =	strace $0x8FFFFFFF  }
0x16: {  	s19 =	sld [smem:$0x3FDB];
	_ =	sdelay $0x1  }
0x17: {  	s20 =	simm.s32 $_scs_section_size  }
0x18: {  	s5 =	simm.s32 $_size__tile_overlayer_lowered;
	s6 =	simm.s32 $_tile_overlayer_lowered  }
0x19: {  	s23 =	simm.s32 $0x1BFF;
	s22 =	sshll.u32 s6, $0x1;
	s3 =	sadd.s32 s20, s19  }
0x1a: {  	s7 =	simm.s32 $0x0;
	s21 =	sshll.u32 s5, $0x1;
	s5 =	sadd.s32 s22, s3  }
0x1b: {  	[timem:s7], [sflag:s23] =	dma.local [hbm:s5], s21  }
0x1c: {  	_ =	swait.ge [sflag:s23], s21  }
0x1d: {  	s4 =	ssub.s32 $0x0, s21;
	[sflag:s23] =	ssyncset.done $0x0  }
0x1e: {  	[sflag:s23] =	ssyncadd.s32 s4;
	_ =	sdelay $0x1  }
0x1f: {  	s24 =	simm.s32 $0x1B8B  }
0x20: {  	_ =	swait.ge [sflag:s24], $0x1  }
0x21: {  	[sflag:s24] =	ssyncset.done $0x0  }
0x22: {  	s26 =	simm.s32 $0x1B8E;
	s25 =	sld [smem:$0x3FFE];
	[sflag:s24] =	ssyncadd.s32 $0xFFFFFFFF  }
0x23: {  	s27 =	simm.s32 $execute0_lowered;
	[smem:$0x3FD2] =	sst s26  }
0x24: {  	s5 =	sshll.u32 s27, $0x1;
	_ =	strace $0x80000049;
	[dreg:$0x1] =	wrdreg $0xFFFFFFFF  }
0x25: {  	s28 =	simm.s32 $_size_execute0_lowered;
	s3 =	sadd.s32 s3, s5;
	[dreg:$0x0] =	wrdreg $0x0  }
0x26: {  	s5 =	sshll.u32 s28, $0x1;
	[dreg:$0x2] =	wrdreg s3  }
0x27: {  	[dreg:$0x3] =	wrdreg s5  }
0x28: {  	[dreg:$0x4] =	wrdreg $0xC0  }
0x29: {  	_ =	task [dreg:s7], $0x5FFFF  }
0x2a: {  	[dreg:$0x1] =	wrdreg $0xFFFFFFFF  }
0x2b: {  	[dreg:$0x0] =	wrdreg $0x60  }
0x2c: {  	[dreg:$0x2] =	wrdreg s25  }
0x2d: {  	[dreg:$0x3] =	wrdreg s17  }
0x2e: {  	[dreg:$0x4] =	wrdreg $0x9  }
0x2f: {  	_ =	task.clear_ibuf [dreg:s7], $0x5FFFF;
	_ =	strace $0x90000049  }
0x30: {  	s29 =	simm.s32 $0x9;
	_ =	strace $0x8000004B  }
0x31: {  	_ =	swait.ge [sflag:s29], $0x1  }
0x32: {  	[sflag:s29] =	ssyncadd.s32 $0xFFFFFFFF  }
0x33: {  	_ =	strace $0x9000004B  }
0x34: {  	_ =	sfence  }
0x35: {  	s30 =	sld [smem:$0x0];
	_ =	sdelay $0x2  }
0x36: {  	s31 =	sshll.u32 s1, $0xD;
	s1 =	sshrl.u32 s1, $0x2  }
0x37: {  	s3 =	sand.u32 $0x4000, s31;
	s1 =	sadd.s32 s1, s30  }
0x38: {  	s0 =	sor.u32 s3, s0;
	s1 =	sshll.u32 s1, $0x11  }
0x39: {  	s0 =	sor.u32 s1, s0  }
0x3a: {  	s0 =	sadd.s32 $0x8F2B, s0  }
0x3b: {  	[sflag:s0] =	ssyncadd.remote.s32 $0x1  }
0x3c: {  	_ =	sfence.sel $0xFFFF  }
0x3d: {  	[dreg:$0x0] =	wrdreg $0xFFFFFFFF;
	(pc) =	sbr.abs _section_cstart, $3  }
0x3e: {  	[dreg:$0x1] =	wrdreg $0xFFFFFFFF  }
0x3f: {  	_ =	task.clear_ibuf [dreg:s7], $0x2FFFF;
	_ =	strace $0x9FFFFFFF  }
0x40: {  	(tm) =	ssettm $0x7FFFFFFF  }
0x41: {  	_ =	shalt  }
tec
execute0_lowered:
.L_overlay_start_1:
0x0: {  	(tag) =	ssettag $0x1  }
0x1: {  	s0 =	srdreg.scid  }
0x2: {  	s1 =	sshll.u32 s0, $0x4  }
0x3: {  	s4 =	rddreg [dreg:$0x0];
	s0 =	stileid.u32;
	s1 =	sand.u32 $0x10, s1  }
0x4: {  	s2 =	rddreg [dreg:$0x1];
	s7 =	simm.s32 $0x1;
	s1 =	sor.u32 s0, s1  }
0x5: {  	s8 =	simm.s32 $0x2;
	s11 =	simm.s32 $0x0;
	s3 =	sshll.u32 s1, $0x7  }
0x6: {  	s10 =	simm.s32 $0x0;
	s4 =	sadd.s32 $0x1000, s4;
	s6 =	ssub.s32 $0x61A800, s3  }
.Ltmp0:
0x7: {  	s1 =	rddreg [dreg:$0x2];
	s5 =	sand.u32 $0xF80, s6;
	(pc) =	sbr.rel .LBB1_1-.Ltmp0, $4  }
0x8: {  	_ =	strace $0x8000004A;
	s9 =	smov.u32 s3;
	p0 =	sne.s32 s5, $0x0  }
0x9: {  	s6 =	sshrl.u32 s6, $0xC;
	s5 =	simm.s32 $0x1;
	s7 =	simm.s32 @!p0 $0x0  }
0xa: {  	[sflag:s5] =	ssyncpa.u1 $0x0;
	p0 =	por $0x0, $0x0;
	s6 =	sadd.s32 s7, s6  }
0xb: {  	[sflag:s8] =	ssyncpa.u1 $0x0;
	s8 =	simm.s32 $0x30D4000;
	s7 =	sadd.s32 $0x1, s6  }
.LBB1_4:
0xc: {  	s14 =	sshll.u32 s11, $0x3  }
0xd: {  	s15 =	sshrl.u32 s14, $0xB  }
0xe: {  	s15 =	smulhi.u32 $0x14F8B6, s15;
	_ =	sdelay $0x1  }
0xf: {  	s28 =	sand.u32 $0x7F, s11;
	s14 =	sand.u32 $0xFFFFFC00, s14;
	s16 =	smul.u32 $0x61A800, s15  }
0x10: {  	[tilespmem:s12+$0xFFFFFFFC ss:$0x81] =	vst.msk $0xffff, v1;
	s11 =	sor.u32 s28, s14;
	s29 =	sand.u32 $0xF, s15  }
0x11: {  	[tilespmem:s12+$0xFFFFFFFD ss:$0x81] =	vst.msk $0xffff, v2;
	s14 =	smul.u32 $0xC3500, s29;
	s11 =	ssub.s32 s11, s16  }
0x12: {  	[tilespmem:s12+$0xFFFFFFFE ss:$0x81] =	vst.msk $0xffff, v0;
	s30 =	sand.u32 $0x7, s11  }
0x13: {  	[tilespmem:s12+$0xFFFFFFFF ss:$0x81] =	vst.msk $0xffff, v4;
	s11 =	sshrl.u32 s11, $0x3;
	s14 =	sadd.s32 s2, s14;
	s15 =	sshll.u32 s30, $0x12  }
0x14: {  	[tilespmem:s12+$0xFFFFFFF9 ss:$0x81] =	vst.msk $0xffff, v3;
	s11 =	sadd.s32 s11, s14;
	s31 =	sor.u32 $0x400, s15  }
0x15: {  	[hbm4b:s11+s31] =	stream.strided.scatter [tilespmem:s13], [sflag:$0x2], $0x800, s8, s31, $0x20;
	[tilespmem:$0x2020] =	vst v63  }
.LBB1_5:
0x16: {  	s13 =	sadd.s32 $0x1000, s9  }
0x17: {  	p2 =	sgt.s32 s13, $0x61A7FF  }
0x18: {  	s13 =	smov.u32 @p2 s3;
	p2 =	sne.s32 s10, s7  }
.Ltmp1:
0x19: {  	p1 =	slt.u32 s10, $0x2;
	(pc) =	sbr.rel @!p2 .LBB1_6-.Ltmp1, $4  }
0x1a: {  	s12 =	simm.s32 @!p1 $0x2  }
0x1b: {  	s14 =	sadd.s32 $0x1, s10;
	_ =	swait.ge @!p1 [sflag:s12], $0x800  }
0x1c: {  	s11 =	smov.u32 s9;
	p0 =	por !p0, !p0;
	[sflag:s12] =	ssyncset.done @!p1 $0x0  }
0x1d: {  	s10 =	smov.u32 s14;
	s9 =	smov.u32 s13;
	[sflag:s12] =	ssyncadd.s32 @!p1 $0xFFFFF800  }
.LBB1_1:
0x1e: {  	p1 =	sge.u32 s10, s6  }
0x1f: {  	s12 =	sand.u32 @!p1 $0x1FFFFFF, s9  }
0x20: {  	s13 =	smulhi.u32 @!p1 $0x14F8B59, s12;
	_ =	sdelay $0x1  }
0x21: {  	s13 =	sshrl.u32 @!p1 s13, $0xF  }
0x22: {  	s13 =	smul.u32 @!p1 $0x61A800, s13;
	_ =	sdelay $0x1  }
0x23: {  	s31 =	sadd.s32 $0xFFFFFFFF, s10;
	s14 =	sxor.u32 @!p1 $0xFFFFFFFF, s10;
	s12 =	ssub.s32 @!p1 s12, s13  }
0x24: {  	s15 =	simm.s32 @!p1 $0x80;
	s14 =	sshll.u32 @!p1 s14, $0xB;
	s12 =	sshll.u32 @!p1 s12, $0x4  }
0x25: {  	s13 =	sand.u32 @!p1 $0x800, s14;
	s14 =	simm.s32 @!p1 $0x10;
	s12 =	sadd.s32 @!p1 s4, s12  }
0x26: {  	[tilespmem:s13], [sflag:$0x1] =	stream.strided.gather @!p1 [hbm4b:s12+s14], $0x800, s15, s14, $0x38;
	[tilespmem:$0x2020] =	vst v63  }
0x27: {  	p1 =	sge.u32 s31, s6  }
.Ltmp2:
0x28: {  	_ = 	snop;
	(pc) =	sbr.rel @p1 .LBB1_5-.Ltmp2, $1  }
0x29: {  	_ =	sdelay $0x3  }
0x2a: {  	s12 =	simm.s32 $0x1  }
0x2b: {  	_ =	swait.ge [sflag:s5], $0x800;
	s12 =	simm.s32 @!p0 $0x0  }
0x2c: {  	[sflag:s5] =	ssyncset.done $0x0;
	s13 =	sshll.u32 s12, $0xB  }
0x2d: {  	[sflag:s5] =	ssyncadd.s32 $0xFFFFF800;
	s15 =	sor.u32 $0x40, s13  }
0x2e: {  	v3 =	vld [tilespmem:s15+$0x30]  }
0x2f: {  	s12 =	smul.u32 $0x2040, s12;
	v4 =	vld [tilespmem:s15+$0xFFFFFFD0]  }
0x30: {  	v5 =	vld [tilespmem:s15+$0xFFFFFFE0]  }
0x31: {  	s31 =	sand.u32 $0x1, s10;
	s12 =	sshrl.u32 s12, $0x2;
	v1 =	vld [tilespmem:s15+$0xFFFFFFF0]  }
0x32: {  	s13 =	smul.u32 $0x2040, s31;
	v2 =	vld [tilespmem:s15+$0x0];
	s12 =	sor.u32 $0x1007, s12  }
0x33: {  	v0 =	vld [tilespmem:s15+$0x10];
	[tilespmem:s12+$0x0 ss:$0x81] =	vst.msk $0xffff, v3  }
0x34: {  	s13 =	sshrl.u32 s13, $0x2;
	[tilespmem:s12+$0xFFFFFFFA ss:$0x81] =	vst.msk $0xffff, v4;
	v4 =	vld [tilespmem:s15+$0x20]  }
0x35: {  	s14 =	simm.s32 $0x0;
	s13 =	sor.u32 $0x1000, s13;
	v3 =	vld [tilespmem:s15+$0xFFFFFFC0];
	[tilespmem:s12+$0xFFFFFFFB ss:$0x81] =	vst.msk $0xffff, v5;
	s15 =	sadd.s32 $0x80, s15  }
.LBB1_3:
0x36: {  	v5 =	vld [tilespmem:s15+$0x30];
	s14 =	sadd.s32 $0x8, s14;
	[tilespmem:s12+$0xFFFFFFFC ss:$0x81] =	vst.msk $0xffff, v1  }
0x37: {  	v6 =	vld [tilespmem:s15+$0xFFFFFFD0];
	p1 =	slt.u32 s14, $0x78;
	[tilespmem:s12+$0xFFFFFFFD ss:$0x81] =	vst.msk $0xffff, v2  }
0x38: {  	v7 =	vld [tilespmem:s15+$0xFFFFFFE0];
	[tilespmem:s12+$0xFFFFFFFE ss:$0x81] =	vst.msk $0xffff, v0  }
.Ltmp3:
0x39: {  	v1 =	vld [tilespmem:s15+$0xFFFFFFF0];
	[tilespmem:s12+$0xFFFFFFFF ss:$0x81] =	vst.msk $0xffff, v4;
	(pc) =	sbr.rel @p1 .LBB1_3-.Ltmp3, $4  }
0x3a: {  	v2 =	vld [tilespmem:s15+$0x0];
	[tilespmem:s12+$0xFFFFFFF9 ss:$0x81] =	vst.msk $0xffff, v3;
	s12 =	sadd.s32 $0x8, s12  }
0x3b: {  	v0 =	vld [tilespmem:s15+$0x10];
	[tilespmem:s12+$0x0 ss:$0x81] =	vst.msk $0xffff, v5  }
0x3c: {  	[tilespmem:s12+$0xFFFFFFFA ss:$0x81] =	vst.msk $0xffff, v6;
	v4 =	vld [tilespmem:s15+$0x20]  }
0x3d: {  	v3 =	vld [tilespmem:s15+$0xFFFFFFC0];
	[tilespmem:s12+$0xFFFFFFFB ss:$0x81] =	vst.msk $0xffff, v7;
	s15 =	sadd.s32 $0x80, s15  }
.Ltmp4:
0x3e: {  	_ = 	snop;
	(pc) =	sbr.rel .LBB1_4-.Ltmp4, $1  }
0x3f: {  	_ =	sdelay $0x3  }
.LBB1_6:
0x40: {  	_ =	sfence.sel $0x180000  }
0x41: {  	s2 =	simm.s32 $0x1;
	[bflag:$0x0] =	sbarrier.arrive $0xFFFF  }
0x42: {  	s31 =	simm.s32 $0x2;
	[sflag:s2] =	ssyncpa.u1 $0x1  }
0x43: {  	[sflag:s31] =	ssyncpa.u1 $0x1  }
0x44: {  	p0 =	sne.s32 s0, $0x0;
	_ =	strace $0x9000004A  }
0x45: {  	s0 =	sadd.s32 @!p0 $0x100000, s1;
	[bflag:$0x2] =	sbarrier.arrive $0xFFFF  }
0x46: {  	[sflag:s0] =	ssyncadd.tile.s32 @!p0 $0x1;
	_ =	shalt  }
.Lfunc_end1:
_tile_overlayer_lowered:
.L_overlay_start_2:
0x47: {  	(tag) =	ssettag $0x2  }
0x48: {  	s0 =	rddreg [dreg:$0x0];
	s2 =	stileid.u32  }
0x49: {  	s1 =	rddreg [dreg:$0x1];
	p0 =	sne.s32 s2, $0x0  }
0x4a: {  	s3 =	rddreg [dreg:$0x2];
	[bflag:$0x3] =	sbarrier.arrive $0xFFFF;
	s2 =	simm.s32 @!p0 $0x1C01  }
0x4b: {  	[timem:s3], [sflag:s2] =	dma.local @!p0 [hbm:s0], s1  }
0x4c: {  	s0 =	simm.s32 @!p0 $0x1  }
0x4d: {  	_ =	swait.ge @!p0 [sflag:s0], s1  }
0x4e: {  	s1 =	ssub.s32 @!p0 $0x0, s1;
	[sflag:s0] =	ssyncset.done @!p0 $0x0  }
0x4f: {  	[sflag:s0] =	ssyncadd.s32 @!p0 s1  }
0x50: {  	[bflag:$0x3] =	sbarrier.arrive $0xFFFF  }
0x51: {  	_ =	shalt  }

</sc_bundles>
